<compile_context>
chip_gen: v7x
topology: tpu7x:2x2x1
jax: 0.10.2.dev20260603
libtpu: 0.0.44.dev20260713+nightly
codegen_flags: <defaults>
</compile_context>

<pallas_src>
import functools

import jax
import jax.numpy as jnp
from jax import lax
from jax.experimental import pallas as pl
from jax.experimental.pallas import tpu as pltpu
from jax.experimental.pallas import tpu_sc as plsc

N_NODES = 100000
NUM_SEGS = 256
EMB = 128
OUT = 10

NW = 32
BIG = 3128
SMALL = 3120
N_BIG = 20
TILE = 128
FULL_TILES = 24
TAIL_BIG = BIG - FULL_TILES * TILE
TAIL_SMALL = SMALL - FULL_TILES * TILE


def _seg_body(emb_hbm, idx_hbm, out_sum, out_cnt,
              ebuf, srow, idx_flat, zb, cnt_s, flg_s, idx_sm, cnt_v, acc,
              idx_sp, sem_in):
    cid = lax.axis_index("c")
    sid = lax.axis_index("s")
    w = cid * 16 + sid
    start = jnp.where(w < N_BIG, w * BIG,
                      N_BIG * BIG + (w - N_BIG) * SMALL).astype(jnp.int32)

    zeros16 = jnp.zeros((16,), jnp.float32)

    def fill_zb(i, _):
        zb[i // 8, pl.ds((i % 8) * 16, 16)] = zeros16
        return 0
    lax.fori_loop(0, 128, fill_zb, 0)

    def zero_cnt(i, _):
        cnt_s[i] = 0
        return 0
    lax.fori_loop(0, NUM_SEGS, zero_cnt, 0)


    pltpu.sync_copy(zb, acc.at[pl.ds(sid * 16, 16)])

    @pl.when(w < N_BIG)
    def _():
        pltpu.sync_copy(idx_hbm.at[pl.ds(start, BIG)],
                        idx_flat.at[pl.ds(0, BIG)])
        pltpu.sync_copy(idx_flat.at[pl.ds(0, BIG)],
                        idx_sp.at[pl.ds(start, BIG)])

    @pl.when(w >= N_BIG)
    def _():
        pltpu.sync_copy(idx_hbm.at[pl.ds(start, SMALL)],
                        idx_flat.at[pl.ds(0, SMALL)])
        pltpu.sync_copy(idx_flat.at[pl.ds(0, SMALL)],
                        idx_sp.at[pl.ds(start, SMALL)])

    tail = start + FULL_TILES * TILE
    n_tail = jnp.where(w < N_BIG, TAIL_BIG, TAIL_SMALL)

    def chk(j, _):
        pltpu.sync_copy(idx_sp.at[pl.ds(start + j * TILE, TILE)], idx_sm)
        a = idx_sm[0]
        b = idx_sm[TILE - 1]
        flg_s[j] = jnp.where(a == b, 1, 0)

        @pl.when(a == b)
        def _():
            cnt_s[a] = cnt_s[a] + TILE

        @pl.when(a != b)
        def _():
            def hist(i, _):
                v = idx_sm[i]
                cnt_s[v] = cnt_s[v] + 1
                return 0
            lax.fori_loop(0, TILE, hist, 0)
        return 0
    lax.fori_loop(0, FULL_TILES, chk, 0)

    pltpu.sync_copy(idx_sp.at[pl.ds(tail, TILE)], idx_sm)
    ta = idx_sm[0]
    tb = idx_sm[n_tail - 1]

    @pl.when(ta == tb)
    def _():
        cnt_s[ta] = cnt_s[ta] + n_tail

    @pl.when(ta != tb)
    def _():
        def hist_tail(i, _):
            v = idx_sm[i]
            cnt_s[v] = cnt_s[v] + 1
            return 0
        lax.fori_loop(0, n_tail, hist_tail, 0)

    plsc.subcore_barrier()

    def in_copy(j, slot):
        return pltpu.make_async_copy(
            emb_hbm.at[pl.ds(start + j * TILE, TILE)], ebuf.at[slot], sem_in)

    in_copy(0, 0).start()

    def step(j, _):
        slot = lax.rem(j, 2)
        in_copy(j, slot).wait()

        @pl.when(j < FULL_TILES - 1)
        def _():
            in_copy(j + 1, 1 - slot).start()

        cflag = flg_s[j] == 1

        @pl.when(cflag)
        def _():
            def vsum(r, carry):
                return tuple(carry[c] + ebuf[slot, r, pl.ds(c * 16, 16)]
                             for c in range(8))
            sums = lax.fori_loop(
                0, TILE, vsum,
                tuple(jnp.zeros((16,), jnp.float32) for _ in range(8)))
            for c in range(8):
                srow[0, pl.ds(c * 16, 16)] = sums[c]
            pltpu.sync_copy(srow, acc.at[idx_flat.at[pl.ds(j * TILE, 1)]],
                            add=True)

        @pl.when(jnp.logical_not(cflag))
        def _():
            pltpu.sync_copy(
                ebuf.at[slot], acc.at[idx_flat.at[pl.ds(j * TILE, TILE)]],
                add=True)
        return 0
    lax.fori_loop(0, FULL_TILES, step, 0)

    @pl.when(w < N_BIG)
    def _():
        pltpu.sync_copy(emb_hbm.at[pl.ds(tail, TAIL_BIG)],
                        ebuf.at[0, pl.ds(0, TAIL_BIG)])
        pltpu.sync_copy(
            ebuf.at[0, pl.ds(0, TAIL_BIG)],
            acc.at[idx_flat.at[pl.ds(FULL_TILES * TILE, TAIL_BIG)]],
            add=True)

    @pl.when(w >= N_BIG)
    def _():
        pltpu.sync_copy(emb_hbm.at[pl.ds(tail, TAIL_SMALL)],
                        ebuf.at[0, pl.ds(0, TAIL_SMALL)])
        pltpu.sync_copy(
            ebuf.at[0, pl.ds(0, TAIL_SMALL)],
            acc.at[idx_flat.at[pl.ds(FULL_TILES * TILE, TAIL_SMALL)]],
            add=True)

    lane16 = lax.broadcasted_iota(jnp.int32, (16,), 0)

    def export_chunk(k, _):
        v = jnp.zeros((16,), jnp.int32)
        for l in range(16):
            v = jnp.where(lane16 == l, cnt_s[k * 16 + l], v)
        cnt_v[pl.ds(k * 16, 16)] = v
        return 0
    lax.fori_loop(0, 16, export_chunk, 0)

    pltpu.sync_copy(cnt_v, out_cnt.at[w])

    plsc.subcore_barrier()

    pltpu.sync_copy(acc.at[pl.ds(sid * 16, 16)],
                    out_sum.at[cid, pl.ds(sid * 16, 16)])


_seg_kernel = functools.partial(
    pl.kernel,
    out_type=[jax.ShapeDtypeStruct((2, NUM_SEGS, EMB), jnp.float32),
              jax.ShapeDtypeStruct((NW, NUM_SEGS), jnp.int32)],
    mesh=plsc.VectorSubcoreMesh(core_axis_name="c", subcore_axis_name="s",
                                num_cores=2, num_subcores=16),
    scratch_types=[
        pltpu.VMEM((2, TILE, EMB), jnp.float32),
        pltpu.VMEM((1, EMB), jnp.float32),
        pltpu.VMEM((BIG + 8,), jnp.int32),
        pltpu.VMEM((16, EMB), jnp.float32),
        pltpu.SMEM((NUM_SEGS,), jnp.int32),
        pltpu.SMEM((FULL_TILES,), jnp.int32),
        pltpu.SMEM((TILE,), jnp.int32),
        pltpu.VMEM((NUM_SEGS,), jnp.int32),
        pltpu.VMEM_SHARED((NUM_SEGS, EMB), jnp.float32),
        pltpu.VMEM_SHARED((N_NODES + 352,), jnp.int32),
        pltpu.SemaphoreType.DMA,
    ],
)(_seg_body)


def _finish_body(ps_ref, pc_ref, w_ref, b_ref, o_ref):
    sums = ps_ref[0] + ps_ref[1]
    cnt = jnp.sum(pc_ref[...], axis=0).astype(jnp.float32)[:, None]
    mean = sums / jnp.maximum(cnt, 1.0)
    o_ref[...] = lax.dot_general(
        mean, w_ref[...], (((1,), (1,)), ((), ())),
        preferred_element_type=jnp.float32) + b_ref[...]


def kernel(node_emb, batch, W, b):
    idx = batch.astype(jnp.int32)
    ps, pc = _seg_kernel(node_emb, idx)
    return pl.pallas_call(
        _finish_body,
        out_shape=jax.ShapeDtypeStruct((NUM_SEGS, OUT), jnp.float32),
    )(ps, pc, W, b.reshape(1, OUT))

# --- scband reference (transcript-rebuilt; emitter-appended) ---
"""Pipeline reference for scband-graph-classifier-75634374083351 (READ-ONLY COPY).

The authoritative reference and input builder live on the scoring server;
editing this copy changes nothing except your own understanding.
"""

import jax, jax.numpy as jnp
import numpy as np

NUM_GRAPHS = 256
EMB_DIM = 128
OUT_DIM = 10
N_NODES = 100000

def setup_inputs(seed: int = 0) -> dict:
    key = jax.random.key(seed)
    k1, k2, k3, k4 = jax.random.split(key, 4)
    node_emb = jax.random.normal(k1, (N_NODES, EMB_DIM), dtype=jnp.float32)
    batch = jnp.sort(jax.random.randint(k2, (N_NODES,), 0, NUM_GRAPHS, dtype=jnp.int64))
    # classifier: torch.nn.Linear(emb_dim, out_dim) params (kaiming-uniform-ish)
    bound = 1.0 / np.sqrt(EMB_DIM)
    W = jax.random.uniform(k3, (OUT_DIM, EMB_DIM), dtype=jnp.float32, minval=-bound, maxval=bound)
    b = jax.random.uniform(k4, (OUT_DIM,), dtype=jnp.float32, minval=-bound, maxval=bound)
    return {"node_emb": node_emb, "batch": batch, "W": W, "b": b}

def reference(node_emb, batch, W, b):
    # global_mean_pool: scatter-mean of node embeddings into per-graph slots
    sums = jax.ops.segment_sum(node_emb, batch, num_segments=NUM_GRAPHS)
    counts = jax.ops.segment_sum(jnp.ones((node_emb.shape[0],), dtype=node_emb.dtype), batch, num_segments=NUM_GRAPHS)
    graph_emb = sums / jnp.clip(counts, 1.0, None)[:, None]
    # classifier: Linear(rep_dim=emb_dim, out_dim)
    pred = graph_emb @ W.T + b
    return pred

if __name__ == "__main__":
    import jax
    _d = setup_inputs()
    print(jax.jit(kernel)(*tuple(_d.values())))

</pallas_src>

<mosaic_0001>
#map = affine_map<(d0, d1) -> (0, 0)>
#map1 = affine_map<(d0, d1) -> (0)>
#map2 = affine_map<(d0, d1) -> (0, 0, 0)>
module attributes {stable_mosaic.version = 14 : i64} {
  func.func @_seg_body(%arg0: i32, %arg1: i32, %arg2: memref<100000x128xf32, #tpu.memory_space<hbm>>, %arg3: memref<100000xi32, #tpu.memory_space<hbm>>, %arg4: memref<2x256x128xf32, #tpu.memory_space<hbm>>, %arg5: memref<32x256xi32, #tpu.memory_space<hbm>>, %arg6: memref<2x128x128xf32, #tpu.memory_space<vmem>>, %arg7: memref<1x128xf32, #tpu.memory_space<vmem>>, %arg8: memref<3136xi32, #tpu.memory_space<vmem>>, %arg9: memref<16x128xf32, #tpu.memory_space<vmem>>, %arg10: memref<256xi32, #tpu.memory_space<smem>>, %arg11: memref<24xi32, #tpu.memory_space<smem>>, %arg12: memref<128xi32, #tpu.memory_space<smem>>, %arg13: memref<256xi32, #tpu.memory_space<vmem>>, %arg14: memref<256x128xf32, #tpu.memory_space<vmem_shared>>, %arg15: memref<100352xi32, #tpu.memory_space<vmem_shared>>, %arg16: memref<!tpu.dma_semaphore, #tpu.memory_space<semaphore_mem>>) attributes {dimension_semantics = [#tpu.dimension_semantics<core_parallel>, #tpu.dimension_semantics<subcore_parallel>], iteration_bounds = array<i64: 2, 16>, scalar_prefetch = 0 : i64, scratch_operands = 11 : i64, tpu.core_type = #tpu.core_type<sc_vector_subcore>, window_params = [{transform_indices = #map}, {transform_indices = #map1}, {transform_indices = #map2}, {transform_indices = #map}]} {
    %mul3A = arith.constant 16 : i32
    %mul3A_0 = arith.muli %arg0, %mul3A : i32
    %add3A = arith.addi %mul3A_0, %arg1 : i32
    %lt3A = arith.constant 20 : i32
    %lt3A_1 = arith.cmpi slt, %add3A, %lt3A : i32
    %mul3A_2 = arith.constant 3128 : i32
    %mul3A_3 = arith.muli %add3A, %mul3A_2 : i32
    %sub3A = arith.constant 20 : i32
    %sub3A_4 = arith.subi %add3A, %sub3A : i32
    %mul3A_5 = arith.constant 3120 : i32
    %mul3A_6 = arith.muli %sub3A_4, %mul3A_5 : i32
    %add3A_7 = arith.constant 62560 : i32
    %add3A_8 = arith.addi %add3A_7, %mul3A_6 : i32
    %select_n3A = arith.select %lt3A_1, %mul3A_3, %add3A_8 : i32
    %broadcast_in_dim3A = arith.constant 0.000000e+00 : f32
    %broadcast_in_dim3A_9 = vector.broadcast %broadcast_in_dim3A : f32 to vector<16xf32>
    %scan3A = arith.constant 0 : i32
    %scan3A_10 = arith.constant 0 : i32
    %scan3A_11 = arith.constant 128 : i32
    %scan3A_12 = arith.addi %scan3A_10, %scan3A_11 : i32
    %scan3A_13 = arith.constant 1 : i32
    %scan3A_14 = scf.for %scan3A_100 = %scan3A_10 to %scan3A_12 step %scan3A_13 iter_args(%scan3A_101 = %scan3A) -> (i32)  : i32 {
      %jit3A_102 = arith.constant 8 : i32
      %div3A = arith.divsi %scan3A_100, %jit3A_102 : i32
      %sign3A = arith.constant 0 : i32
      %sign3A_103 = arith.cmpi sgt, %scan3A_100, %sign3A : i32
      %sign3A_104 = arith.extui %sign3A_103 : i1 to i32
      %sign3A_105 = arith.constant 0 : i32
      %sign3A_106 = arith.cmpi slt, %scan3A_100, %sign3A_105 : i32
      %sign3A_107 = arith.extui %sign3A_106 : i1 to i32
      %sign3A_108 = arith.subi %sign3A_104, %sign3A_107 : i32
      %sign3A_109 = arith.constant 0 : i32
      %sign3A_110 = arith.cmpi sgt, %jit3A_102, %sign3A_109 : i32
      %sign3A_111 = arith.extui %sign3A_110 : i1 to i32
      %sign3A_112 = arith.constant 0 : i32
      %sign3A_113 = arith.cmpi slt, %jit3A_102, %sign3A_112 : i32
      %sign3A_114 = arith.extui %sign3A_113 : i1 to i32
      %sign3A_115 = arith.subi %sign3A_111, %sign3A_114 : i32
      %ne3A_116 = arith.cmpi ne, %sign3A_108, %sign3A_115 : i32
      %rem3A = arith.remsi %scan3A_100, %jit3A_102 : i32
      %ne3A_117 = arith.constant 0 : i32
      %ne3A_118 = arith.cmpi ne, %rem3A, %ne3A_117 : i32
      %and3A = arith.andi %ne3A_116, %ne3A_118 : i1
      %sub3A_119 = arith.constant 1 : i32
      %sub3A_120 = arith.subi %div3A, %sub3A_119 : i32
      %select_n3A_121 = arith.select %and3A, %sub3A_120, %div3A : i32
      %jit3A_122 = arith.constant 8 : i32
      %eq3A_123 = arith.constant 0 : i32
      %eq3A_124 = arith.cmpi eq, %jit3A_122, %eq3A_123 : i32
      %jit3A_125 = arith.constant 1 : i32
      %select_n3A_126 = arith.select %eq3A_124, %jit3A_125, %jit3A_122 : i32
      %rem3A_127 = arith.remsi %scan3A_100, %select_n3A_126 : i32
      %ne3A_128 = arith.constant 0 : i32
      %ne3A_129 = arith.cmpi ne, %rem3A_127, %ne3A_128 : i32
      %lt3A_130 = arith.constant 0 : i32
      %lt3A_131 = arith.cmpi slt, %rem3A_127, %lt3A_130 : i32
      %lt3A_132 = arith.constant 0 : i32
      %lt3A_133 = arith.cmpi slt, %select_n3A_126, %lt3A_132 : i32
      %ne3A_134 = arith.xori %lt3A_131, %lt3A_133 : i1
      %and3A_135 = arith.andi %ne3A_134, %ne3A_129 : i1
      %add3A_136 = arith.addi %rem3A_127, %select_n3A_126 : i32
      %select_n3A_137 = arith.select %and3A_135, %add3A_136, %rem3A_127 : i32
      %mul3A_138 = arith.constant 16 : i32
      %mul3A_139 = arith.muli %select_n3A_137, %mul3A_138 : i32
      %swap3A = arith.index_cast %select_n3A_121 : i32 to index
      %swap3A_140 = arith.index_cast %mul3A_139 : i32 to index
      %swap3A_141 = tpu.vector_load %arg9[%swap3A, %swap3A_140] {strides = array<i32>} : memref<16x128xf32, #tpu.memory_space<vmem>>, vector<1x16xf32>,
      %swap3A_142 = vector.shape_cast %swap3A_141 : vector<1x16xf32> to vector<16xf32>
      %swap3A_143 = vector.shape_cast %broadcast_in_dim3A_9 : vector<16xf32> to vector<1x16xf32>
      tpu.vector_store %arg9[%swap3A, %swap3A_140], %swap3A_143 {strides = array<i32>} : memref<16x128xf32, #tpu.memory_space<vmem>>, vector<1x16xf32>,
      %scan3A_144 = arith.constant 0 : i32
      scf.yield %scan3A_144 : i32
    }
    %scan3A_15 = arith.constant 128 : i32
    %scan3A_16 = arith.constant 0 : i32
    %scan3A_17 = arith.constant 0 : i32
    %scan3A_18 = arith.constant 256 : i32
    %scan3A_19 = arith.addi %scan3A_17, %scan3A_18 : i32
    %scan3A_20 = arith.constant 1 : i32
    %scan3A_21 = scf.for %scan3A_100 = %scan3A_17 to %scan3A_19 step %scan3A_20 iter_args(%scan3A_101 = %scan3A_16) -> (i32)  : i32 {
      %swap3A = arith.constant 0 : i32
      %swap3A_102 = arith.index_cast %scan3A_100 : i32 to index
      %swap3A_103 = memref.load %arg10[%swap3A_102] : memref<256xi32, #tpu.memory_space<smem>>
      memref.store %swap3A, %arg10[%swap3A_102] : memref<256xi32, #tpu.memory_space<smem>>
      %scan3A_104 = arith.constant 0 : i32
      scf.yield %scan3A_104 : i32
    }
    %scan3A_22 = arith.constant 256 : i32
    %mul3A_23 = arith.constant 16 : i32
    %mul3A_24 = arith.muli %arg1, %mul3A_23 : i32
    "tpu.region"() ({
      %run_scoped3A = tpu.sem_alloc : memref<!tpu.dma_semaphore, #tpu.memory_space<semaphore_mem>>
      %dma_start3A_100 = arith.constant 0 : i32
      %dma_start3A_101 = tpu.memref_slice %arg14[%mul3A_24, %dma_start3A_100] : memref<256x128xf32, #tpu.memory_space<vmem_shared>> -> memref<16x128xf32, #tpu.memory_space<vmem_shared>>
      %dma_start3A_102 = arith.constant 0 : i32
      %dma_start3A_103 = tpu.memref_slice %arg14[%mul3A_24, %dma_start3A_102] : memref<256x128xf32, #tpu.memory_space<vmem_shared>> -> memref<16x128xf32, #tpu.memory_space<vmem_shared>>
      tpu.enqueue_dma source(%arg9 : memref<16x128xf32, #tpu.memory_space<vmem>>) target(%dma_start3A_103 : memref<16x128xf32, #tpu.memory_space<vmem_shared>>) target_semaphore(%run_scoped3A : memref<!tpu.dma_semaphore, #tpu.memory_space<semaphore_mem>>)
      %dma_wait3A = arith.constant 0 : i32
      %dma_wait3A_104 = tpu.memref_slice %arg14[%mul3A_24, %dma_wait3A] : memref<256x128xf32, #tpu.memory_space<vmem_shared>> -> memref<16x128xf32, #tpu.memory_space<vmem_shared>>
      %dma_wait3A_105 = arith.constant 0 : i32
      %dma_wait3A_106 = tpu.memref_slice %arg14[%mul3A_24, %dma_wait3A_105] : memref<256x128xf32, #tpu.memory_space<vmem_shared>> -> memref<16x128xf32, #tpu.memory_space<vmem_shared>>
      tpu.wait_dma2 semaphore(%run_scoped3A : memref<!tpu.dma_semaphore, #tpu.memory_space<semaphore_mem>>) src(%arg9 : memref<16x128xf32, #tpu.memory_space<vmem>>) dst(%dma_wait3A_106 : memref<16x128xf32, #tpu.memory_space<vmem_shared>>)
      tpu.yield
    }) : () -> ()
    %lt3A_25 = arith.constant 20 : i32
    %lt3A_26 = arith.cmpi slt, %add3A, %lt3A_25 : i32
    %convert_element_type3A = arith.extui %lt3A_26 : i1 to i32
    %cond3A = arith.constant 0 : i32
    %cond3A_27 = arith.cmpi ne, %convert_element_type3A, %cond3A : i32
    scf.if %cond3A_27 {
      "tpu.region"() ({
        %run_scoped3A = tpu.sem_alloc : memref<!tpu.dma_semaphore, #tpu.memory_space<semaphore_mem>>
        %dma_start3A_100 = arith.constant 0 : i32
        %dma_start3A_101 = tpu.memref_slice %arg8[%dma_start3A_100] : memref<3136xi32, #tpu.memory_space<vmem>> -> memref<3128xi32, #tpu.memory_space<vmem>>
        %dma_start3A_102 = tpu.memref_slice %arg3[%select_n3A] : memref<100000xi32, #tpu.memory_space<hbm>> -> memref<3128xi32, #tpu.memory_space<hbm>>
        %dma_start3A_103 = arith.constant 0 : i32
        %dma_start3A_104 = tpu.memref_slice %arg8[%dma_start3A_103] : memref<3136xi32, #tpu.memory_space<vmem>> -> memref<3128xi32, #tpu.memory_space<vmem>>
        %dma_start3A_105 = tpu.memref_slice %arg3[%select_n3A] : memref<100000xi32, #tpu.memory_space<hbm>> -> memref<3128xi32, #tpu.memory_space<hbm>>
        tpu.enqueue_dma source(%dma_start3A_105 : memref<3128xi32, #tpu.memory_space<hbm>>) target(%dma_start3A_104 : memref<3128xi32, #tpu.memory_space<vmem>>) target_semaphore(%run_scoped3A : memref<!tpu.dma_semaphore, #tpu.memory_space<semaphore_mem>>)
        %dma_wait3A = arith.constant 0 : i32
        %dma_wait3A_106 = tpu.memref_slice %arg8[%dma_wait3A] : memref<3136xi32, #tpu.memory_space<vmem>> -> memref<3128xi32, #tpu.memory_space<vmem>>
        %dma_wait3A_107 = tpu.memref_slice %arg3[%select_n3A] : memref<100000xi32, #tpu.memory_space<hbm>> -> memref<3128xi32, #tpu.memory_space<hbm>>
        %dma_wait3A_108 = arith.constant 0 : i32
        %dma_wait3A_109 = tpu.memref_slice %arg8[%dma_wait3A_108] : memref<3136xi32, #tpu.memory_space<vmem>> -> memref<3128xi32, #tpu.memory_space<vmem>>
        %dma_wait3A_110 = tpu.memref_slice %arg3[%select_n3A] : memref<100000xi32, #tpu.memory_space<hbm>> -> memref<3128xi32, #tpu.memory_space<hbm>>
        tpu.wait_dma2 semaphore(%run_scoped3A : memref<!tpu.dma_semaphore, #tpu.memory_space<semaphore_mem>>) src(%dma_wait3A_110 : memref<3128xi32, #tpu.memory_space<hbm>>) dst(%dma_wait3A_109 : memref<3128xi32, #tpu.memory_space<vmem>>)
        tpu.yield
      }) : () -> ()
      "tpu.region"() ({
        %run_scoped3A = tpu.sem_alloc : memref<!tpu.dma_semaphore, #tpu.memory_space<semaphore_mem>>
        %dma_start3A_100 = arith.constant 0 : i32
        %dma_start3A_101 = tpu.memref_slice %arg8[%dma_start3A_100] : memref<3136xi32, #tpu.memory_space<vmem>> -> memref<3128xi32, #tpu.memory_space<vmem>>
        %dma_start3A_102 = tpu.memref_slice %arg15[%select_n3A] : memref<100352xi32, #tpu.memory_space<vmem_shared>> -> memref<3128xi32, #tpu.memory_space<vmem_shared>>
        %dma_start3A_103 = tpu.memref_slice %arg15[%select_n3A] : memref<100352xi32, #tpu.memory_space<vmem_shared>> -> memref<3128xi32, #tpu.memory_space<vmem_shared>>
        %dma_start3A_104 = arith.constant 0 : i32
        %dma_start3A_105 = tpu.memref_slice %arg8[%dma_start3A_104] : memref<3136xi32, #tpu.memory_space<vmem>> -> memref<3128xi32, #tpu.memory_space<vmem>>
        tpu.enqueue_dma source(%dma_start3A_105 : memref<3128xi32, #tpu.memory_space<vmem>>) target(%dma_start3A_103 : memref<3128xi32, #tpu.memory_space<vmem_shared>>) target_semaphore(%run_scoped3A : memref<!tpu.dma_semaphore, #tpu.memory_space<semaphore_mem>>)
        %dma_wait3A = arith.constant 0 : i32
        %dma_wait3A_106 = tpu.memref_slice %arg8[%dma_wait3A] : memref<3136xi32, #tpu.memory_space<vmem>> -> memref<3128xi32, #tpu.memory_space<vmem>>
        %dma_wait3A_107 = tpu.memref_slice %arg15[%select_n3A] : memref<100352xi32, #tpu.memory_space<vmem_shared>> -> memref<3128xi32, #tpu.memory_space<vmem_shared>>
        %dma_wait3A_108 = tpu.memref_slice %arg15[%select_n3A] : memref<100352xi32, #tpu.memory_space<vmem_shared>> -> memref<3128xi32, #tpu.memory_space<vmem_shared>>
        %dma_wait3A_109 = arith.constant 0 : i32
        %dma_wait3A_110 = tpu.memref_slice %arg8[%dma_wait3A_109] : memref<3136xi32, #tpu.memory_space<vmem>> -> memref<3128xi32, #tpu.memory_space<vmem>>
        tpu.wait_dma2 semaphore(%run_scoped3A : memref<!tpu.dma_semaphore, #tpu.memory_space<semaphore_mem>>) src(%dma_wait3A_110 : memref<3128xi32, #tpu.memory_space<vmem>>) dst(%dma_wait3A_108 : memref<3128xi32, #tpu.memory_space<vmem_shared>>)
        tpu.yield
      }) : () -> ()
    } else {
    }
    %ge3A = arith.constant 20 : i32
    %ge3A_28 = arith.cmpi sge, %add3A, %ge3A : i32
    %convert_element_type3A_29 = arith.extui %ge3A_28 : i1 to i32
    %cond3A_30 = arith.constant 0 : i32
    %cond3A_31 = arith.cmpi ne, %convert_element_type3A_29, %cond3A_30 : i32
    scf.if %cond3A_31 {
      "tpu.region"() ({
        %run_scoped3A = tpu.sem_alloc : memref<!tpu.dma_semaphore, #tpu.memory_space<semaphore_mem>>
        %dma_start3A_100 = arith.constant 0 : i32
        %dma_start3A_101 = tpu.memref_slice %arg8[%dma_start3A_100] : memref<3136xi32, #tpu.memory_space<vmem>> -> memref<3120xi32, #tpu.memory_space<vmem>>
        %dma_start3A_102 = tpu.memref_slice %arg3[%select_n3A] : memref<100000xi32, #tpu.memory_space<hbm>> -> memref<3120xi32, #tpu.memory_space<hbm>>
        %dma_start3A_103 = arith.constant 0 : i32
        %dma_start3A_104 = tpu.memref_slice %arg8[%dma_start3A_103] : memref<3136xi32, #tpu.memory_space<vmem>> -> memref<3120xi32, #tpu.memory_space<vmem>>
        %dma_start3A_105 = tpu.memref_slice %arg3[%select_n3A] : memref<100000xi32, #tpu.memory_space<hbm>> -> memref<3120xi32, #tpu.memory_space<hbm>>
        tpu.enqueue_dma source(%dma_start3A_105 : memref<3120xi32, #tpu.memory_space<hbm>>) target(%dma_start3A_104 : memref<3120xi32, #tpu.memory_space<vmem>>) target_semaphore(%run_scoped3A : memref<!tpu.dma_semaphore, #tpu.memory_space<semaphore_mem>>)
        %dma_wait3A = arith.constant 0 : i32
        %dma_wait3A_106 = tpu.memref_slice %arg8[%dma_wait3A] : memref<3136xi32, #tpu.memory_space<vmem>> -> memref<3120xi32, #tpu.memory_space<vmem>>
        %dma_wait3A_107 = tpu.memref_slice %arg3[%select_n3A] : memref<100000xi32, #tpu.memory_space<hbm>> -> memref<3120xi32, #tpu.memory_space<hbm>>
        %dma_wait3A_108 = arith.constant 0 : i32
        %dma_wait3A_109 = tpu.memref_slice %arg8[%dma_wait3A_108] : memref<3136xi32, #tpu.memory_space<vmem>> -> memref<3120xi32, #tpu.memory_space<vmem>>
        %dma_wait3A_110 = tpu.memref_slice %arg3[%select_n3A] : memref<100000xi32, #tpu.memory_space<hbm>> -> memref<3120xi32, #tpu.memory_space<hbm>>
        tpu.wait_dma2 semaphore(%run_scoped3A : memref<!tpu.dma_semaphore, #tpu.memory_space<semaphore_mem>>) src(%dma_wait3A_110 : memref<3120xi32, #tpu.memory_space<hbm>>) dst(%dma_wait3A_109 : memref<3120xi32, #tpu.memory_space<vmem>>)
        tpu.yield
      }) : () -> ()
      "tpu.region"() ({
        %run_scoped3A = tpu.sem_alloc : memref<!tpu.dma_semaphore, #tpu.memory_space<semaphore_mem>>
        %dma_start3A_100 = arith.constant 0 : i32
        %dma_start3A_101 = tpu.memref_slice %arg8[%dma_start3A_100] : memref<3136xi32, #tpu.memory_space<vmem>> -> memref<3120xi32, #tpu.memory_space<vmem>>
        %dma_start3A_102 = tpu.memref_slice %arg15[%select_n3A] : memref<100352xi32, #tpu.memory_space<vmem_shared>> -> memref<3120xi32, #tpu.memory_space<vmem_shared>>
        %dma_start3A_103 = tpu.memref_slice %arg15[%select_n3A] : memref<100352xi32, #tpu.memory_space<vmem_shared>> -> memref<3120xi32, #tpu.memory_space<vmem_shared>>
        %dma_start3A_104 = arith.constant 0 : i32
        %dma_start3A_105 = tpu.memref_slice %arg8[%dma_start3A_104] : memref<3136xi32, #tpu.memory_space<vmem>> -> memref<3120xi32, #tpu.memory_space<vmem>>
        tpu.enqueue_dma source(%dma_start3A_105 : memref<3120xi32, #tpu.memory_space<vmem>>) target(%dma_start3A_103 : memref<3120xi32, #tpu.memory_space<vmem_shared>>) target_semaphore(%run_scoped3A : memref<!tpu.dma_semaphore, #tpu.memory_space<semaphore_mem>>)
        %dma_wait3A = arith.constant 0 : i32
        %dma_wait3A_106 = tpu.memref_slice %arg8[%dma_wait3A] : memref<3136xi32, #tpu.memory_space<vmem>> -> memref<3120xi32, #tpu.memory_space<vmem>>
        %dma_wait3A_107 = tpu.memref_slice %arg15[%select_n3A] : memref<100352xi32, #tpu.memory_space<vmem_shared>> -> memref<3120xi32, #tpu.memory_space<vmem_shared>>
        %dma_wait3A_108 = tpu.memref_slice %arg15[%select_n3A] : memref<100352xi32, #tpu.memory_space<vmem_shared>> -> memref<3120xi32, #tpu.memory_space<vmem_shared>>
        %dma_wait3A_109 = arith.constant 0 : i32
        %dma_wait3A_110 = tpu.memref_slice %arg8[%dma_wait3A_109] : memref<3136xi32, #tpu.memory_space<vmem>> -> memref<3120xi32, #tpu.memory_space<vmem>>
        tpu.wait_dma2 semaphore(%run_scoped3A : memref<!tpu.dma_semaphore, #tpu.memory_space<semaphore_mem>>) src(%dma_wait3A_110 : memref<3120xi32, #tpu.memory_space<vmem>>) dst(%dma_wait3A_108 : memref<3120xi32, #tpu.memory_space<vmem_shared>>)
        tpu.yield
      }) : () -> ()
    } else {
    }
    %add3A_32 = arith.constant 3072 : i32
    %add3A_33 = arith.addi %select_n3A, %add3A_32 : i32
    %lt3A_34 = arith.constant 20 : i32
    %lt3A_35 = arith.cmpi slt, %add3A, %lt3A_34 : i32
    %jit3A = arith.constant 56 : i32
    %jit3A_36 = arith.constant 48 : i32
    %select_n3A_37 = arith.select %lt3A_35, %jit3A, %jit3A_36 : i32
    %scan3A_38 = arith.constant 0 : i32
    %scan3A_39 = arith.constant 0 : i32
    %scan3A_40 = arith.constant 24 : i32
    %scan3A_41 = arith.addi %scan3A_39, %scan3A_40 : i32
    %scan3A_42 = arith.constant 1 : i32
    %scan3A_43 = scf.for %scan3A_100 = %scan3A_39 to %scan3A_41 step %scan3A_42 iter_args(%scan3A_101 = %scan3A_38) -> (i32)  : i32 {
      %mul3A_102 = arith.constant 128 : i32
      %mul3A_103 = arith.muli %scan3A_100, %mul3A_102 : i32
      %add3A_104 = arith.addi %select_n3A, %mul3A_103 : i32
      "tpu.region"() ({
        %run_scoped3A = tpu.sem_alloc : memref<!tpu.dma_semaphore, #tpu.memory_space<semaphore_mem>>
        %dma_start3A_125 = tpu.memref_slice %arg15[%add3A_104] : memref<100352xi32, #tpu.memory_space<vmem_shared>> -> memref<128xi32, #tpu.memory_space<vmem_shared>>
        tpu.enqueue_dma source(%dma_start3A_125 : memref<128xi32, #tpu.memory_space<vmem_shared>>) target(%arg12 : memref<128xi32, #tpu.memory_space<smem>>) target_semaphore(%run_scoped3A : memref<!tpu.dma_semaphore, #tpu.memory_space<semaphore_mem>>)
        %dma_wait3A = tpu.memref_slice %arg15[%add3A_104] : memref<100352xi32, #tpu.memory_space<vmem_shared>> -> memref<128xi32, #tpu.memory_space<vmem_shared>>
        tpu.wait_dma2 semaphore(%run_scoped3A : memref<!tpu.dma_semaphore, #tpu.memory_space<semaphore_mem>>) src(%dma_wait3A : memref<128xi32, #tpu.memory_space<vmem_shared>>) dst(%arg12 : memref<128xi32, #tpu.memory_space<smem>>)
        tpu.yield
      }) : () -> ()
      %get3A_105 = arith.constant 0 : i32
      %get3A_106 = arith.index_cast %get3A_105 : i32 to index
      %get3A_107 = memref.load %arg12[%get3A_106] : memref<128xi32, #tpu.memory_space<smem>>
      %get3A_108 = arith.constant 127 : i32
      %get3A_109 = arith.index_cast %get3A_108 : i32 to index
      %get3A_110 = memref.load %arg12[%get3A_109] : memref<128xi32, #tpu.memory_space<smem>>
      %eq3A_111 = arith.cmpi eq, %get3A_107, %get3A_110 : i32
      %jit3A_112 = arith.constant 1 : i32
      %jit3A_113 = arith.constant 0 : i32
      %select_n3A_114 = arith.select %eq3A_111, %jit3A_112, %jit3A_113 : i32
      %swap3A = arith.index_cast %scan3A_100 : i32 to index
      %swap3A_115 = memref.load %arg11[%swap3A] : memref<24xi32, #tpu.memory_space<smem>>
      memref.store %select_n3A_114, %arg11[%swap3A] : memref<24xi32, #tpu.memory_space<smem>>
      %eq3A_116 = arith.cmpi eq, %get3A_107, %get3A_110 : i32
      %convert_element_type3A_117 = arith.extui %eq3A_116 : i1 to i32
      %cond3A_118 = arith.constant 0 : i32
      %cond3A_119 = arith.cmpi ne, %convert_element_type3A_117, %cond3A_118 : i32
      scf.if %cond3A_119 {
        %get3A_125 = arith.index_cast %get3A_107 : i32 to index
        %get3A_126 = memref.load %arg10[%get3A_125] : memref<256xi32, #tpu.memory_space<smem>>
        %add3A_127 = arith.constant 128 : i32
        %add3A_128 = arith.addi %get3A_126, %add3A_127 : i32
        %swap3A_129 = arith.index_cast %get3A_107 : i32 to index
        %swap3A_130 = memref.load %arg10[%swap3A_129] : memref<256xi32, #tpu.memory_space<smem>>
        memref.store %add3A_128, %arg10[%swap3A_129] : memref<256xi32, #tpu.memory_space<smem>>
      } else {
      }
      %ne3A_120 = arith.cmpi ne, %get3A_107, %get3A_110 : i32
      %convert_element_type3A_121 = arith.extui %ne3A_120 : i1 to i32
      %cond3A_122 = arith.constant 0 : i32
      %cond3A_123 = arith.cmpi ne, %convert_element_type3A_121, %cond3A_122 : i32
      scf.if %cond3A_123 {
        %scan3A_125 = arith.constant 0 : i32
        %scan3A_126 = arith.constant 0 : i32
        %scan3A_127 = arith.constant 128 : i32
        %scan3A_128 = arith.addi %scan3A_126, %scan3A_127 : i32
        %scan3A_129 = arith.constant 1 : i32
        %scan3A_130 = scf.for %scan3A_132 = %scan3A_126 to %scan3A_128 step %scan3A_129 iter_args(%scan3A_133 = %scan3A_125) -> (i32)  : i32 {
          %get3A_134 = arith.index_cast %scan3A_132 : i32 to index
          %get3A_135 = memref.load %arg12[%get3A_134] : memref<128xi32, #tpu.memory_space<smem>>
          %get3A_136 = arith.index_cast %get3A_135 : i32 to index
          %get3A_137 = memref.load %arg10[%get3A_136] : memref<256xi32, #tpu.memory_space<smem>>
          %add3A_138 = arith.constant 1 : i32
          %add3A_139 = arith.addi %get3A_137, %add3A_138 : i32
          %swap3A_140 = arith.index_cast %get3A_135 : i32 to index
          %swap3A_141 = memref.load %arg10[%swap3A_140] : memref<256xi32, #tpu.memory_space<smem>>
          memref.store %add3A_139, %arg10[%swap3A_140] : memref<256xi32, #tpu.memory_space<smem>>
          %scan3A_142 = arith.constant 0 : i32
          scf.yield %scan3A_142 : i32
        }
        %scan3A_131 = arith.constant 128 : i32
      } else {
      }
      %scan3A_124 = arith.constant 0 : i32
      scf.yield %scan3A_124 : i32
    }
    %scan3A_44 = arith.constant 24 : i32
    "tpu.region"() ({
      %run_scoped3A = tpu.sem_alloc : memref<!tpu.dma_semaphore, #tpu.memory_space<semaphore_mem>>
      %dma_start3A_100 = tpu.memref_slice %arg15[%add3A_33] : memref<100352xi32, #tpu.memory_space<vmem_shared>> -> memref<128xi32, #tpu.memory_space<vmem_shared>>
      tpu.enqueue_dma source(%dma_start3A_100 : memref<128xi32, #tpu.memory_space<vmem_shared>>) target(%arg12 : memref<128xi32, #tpu.memory_space<smem>>) target_semaphore(%run_scoped3A : memref<!tpu.dma_semaphore, #tpu.memory_space<semaphore_mem>>)
      %dma_wait3A = tpu.memref_slice %arg15[%add3A_33] : memref<100352xi32, #tpu.memory_space<vmem_shared>> -> memref<128xi32, #tpu.memory_space<vmem_shared>>
      tpu.wait_dma2 semaphore(%run_scoped3A : memref<!tpu.dma_semaphore, #tpu.memory_space<semaphore_mem>>) src(%dma_wait3A : memref<128xi32, #tpu.memory_space<vmem_shared>>) dst(%arg12 : memref<128xi32, #tpu.memory_space<smem>>)
      tpu.yield
    }) : () -> ()
    %get3A = arith.constant 0 : i32
    %get3A_45 = arith.index_cast %get3A : i32 to index
    %get3A_46 = memref.load %arg12[%get3A_45] : memref<128xi32, #tpu.memory_space<smem>>
    %sub3A_47 = arith.constant 1 : i32
    %sub3A_48 = arith.subi %select_n3A_37, %sub3A_47 : i32
    %get3A_49 = arith.index_cast %sub3A_48 : i32 to index
    %get3A_50 = memref.load %arg12[%get3A_49] : memref<128xi32, #tpu.memory_space<smem>>
    %eq3A = arith.cmpi eq, %get3A_46, %get3A_50 : i32
    %convert_element_type3A_51 = arith.extui %eq3A : i1 to i32
    %cond3A_52 = arith.constant 0 : i32
    %cond3A_53 = arith.cmpi ne, %convert_element_type3A_51, %cond3A_52 : i32
    scf.if %cond3A_53 {
      %get3A_100 = arith.index_cast %get3A_46 : i32 to index
      %get3A_101 = memref.load %arg10[%get3A_100] : memref<256xi32, #tpu.memory_space<smem>>
      %add3A_102 = arith.addi %get3A_101, %select_n3A_37 : i32
      %swap3A = arith.index_cast %get3A_46 : i32 to index
      %swap3A_103 = memref.load %arg10[%swap3A] : memref<256xi32, #tpu.memory_space<smem>>
      memref.store %add3A_102, %arg10[%swap3A] : memref<256xi32, #tpu.memory_space<smem>>
    } else {
    }
    %ne3A = arith.cmpi ne, %get3A_46, %get3A_50 : i32
    %convert_element_type3A_54 = arith.extui %ne3A : i1 to i32
    %cond3A_55 = arith.constant 0 : i32
    %cond3A_56 = arith.cmpi ne, %convert_element_type3A_54, %cond3A_55 : i32
    scf.if %cond3A_56 {
      %while3A = arith.constant 0 : i32
      %while3A_100 = arith.constant 0 : i32
      %while3A_101 = arith.subi %select_n3A_37, %while3A : i32
      %while3A_102 = arith.addi %while3A, %while3A_101 : i32
      %while3A_103 = arith.constant 1 : i32
      %while3A_104 = arith.divsi %while3A_101, %while3A_103 : i32
      %while3A_105 = arith.muli %while3A_104, %while3A_103 : i32
      %while3A_106 = arith.addi %while3A, %while3A_105 : i32
      %while3A_107 = arith.constant 1 : i32
      %while3A_108 = scf.for %while3A_111 = %while3A to %while3A_106 step %while3A_107 iter_args(%while3A_112 = %while3A_100) -> (i32)  : i32 {
        %get3A_113 = arith.index_cast %while3A_111 : i32 to index
        %get3A_114 = memref.load %arg12[%get3A_113] : memref<128xi32, #tpu.memory_space<smem>>
        %get3A_115 = arith.index_cast %get3A_114 : i32 to index
        %get3A_116 = memref.load %arg10[%get3A_115] : memref<256xi32, #tpu.memory_space<smem>>
        %add3A_117 = arith.constant 1 : i32
        %add3A_118 = arith.addi %get3A_116, %add3A_117 : i32
        %swap3A = arith.index_cast %get3A_114 : i32 to index
        %swap3A_119 = memref.load %arg10[%swap3A] : memref<256xi32, #tpu.memory_space<smem>>
        memref.store %add3A_118, %arg10[%swap3A] : memref<256xi32, #tpu.memory_space<smem>>
        %while3A_120 = arith.constant 0 : i32
        scf.yield %while3A_120 : i32
      }
      %while3A_109 = arith.constant 1 : i32
      %while3A_110 = scf.for %while3A_111 = %while3A_106 to %while3A_102 step %while3A_109 iter_args(%while3A_112 = %while3A_108) -> (i32)  : i32 {
        %get3A_113 = arith.index_cast %while3A_111 : i32 to index
        %get3A_114 = memref.load %arg12[%get3A_113] : memref<128xi32, #tpu.memory_space<smem>>
        %get3A_115 = arith.index_cast %get3A_114 : i32 to index
        %get3A_116 = memref.load %arg10[%get3A_115] : memref<256xi32, #tpu.memory_space<smem>>
        %add3A_117 = arith.constant 1 : i32
        %add3A_118 = arith.addi %get3A_116, %add3A_117 : i32
        %swap3A = arith.index_cast %get3A_114 : i32 to index
        %swap3A_119 = memref.load %arg10[%swap3A] : memref<256xi32, #tpu.memory_space<smem>>
        memref.store %add3A_118, %arg10[%swap3A] : memref<256xi32, #tpu.memory_space<smem>>
        %while3A_120 = arith.constant 0 : i32
        scf.yield %while3A_120 : i32
      }
    } else {
    }
    %barrier3A = arith.constant 0 : index
    tpu.barrier barrier_id(%barrier3A)
    %add3A_57 = arith.constant 0 : i32
    %add3A_58 = arith.addi %select_n3A, %add3A_57 : i32
    %dma_start3A = arith.constant 0 : i32
    %dma_start3A_59 = arith.constant 0 : i32
    %dma_start3A_60 = arith.constant 0 : i32
    %dma_start3A_61 = tpu.memref_slice %arg6[%dma_start3A, %dma_start3A_59, %dma_start3A_60] : memref<2x128x128xf32, #tpu.memory_space<vmem>> -> memref<1x128x128xf32, #tpu.memory_space<vmem>>
    %dma_start3A_62 = tpu.memref_squeeze %dma_start3A_61 : memref<1x128x128xf32, #tpu.memory_space<vmem>> -> memref<128x128xf32, #tpu.memory_space<vmem>>
    %dma_start3A_63 = arith.constant 0 : i32
    %dma_start3A_64 = tpu.memref_slice %arg2[%add3A_58, %dma_start3A_63] : memref<100000x128xf32, #tpu.memory_space<hbm>> -> memref<128x128xf32, #tpu.memory_space<hbm>>
    %dma_start3A_65 = arith.constant 0 : i32
    %dma_start3A_66 = arith.constant 0 : i32
    %dma_start3A_67 = tpu.memref_slice %arg6[%dma_start3A, %dma_start3A_65, %dma_start3A_66] : memref<2x128x128xf32, #tpu.memory_space<vmem>> -> memref<1x128x128xf32, #tpu.memory_space<vmem>>
    %dma_start3A_68 = tpu.memref_squeeze %dma_start3A_67 : memref<1x128x128xf32, #tpu.memory_space<vmem>> -> memref<128x128xf32, #tpu.memory_space<vmem>>
    %dma_start3A_69 = arith.constant 0 : i32
    %dma_start3A_70 = tpu.memref_slice %arg2[%add3A_58, %dma_start3A_69] : memref<100000x128xf32, #tpu.memory_space<hbm>> -> memref<128x128xf32, #tpu.memory_space<hbm>>
    tpu.enqueue_dma source(%dma_start3A_70 : memref<128x128xf32, #tpu.memory_space<hbm>>) target(%dma_start3A_68 : memref<128x128xf32, #tpu.memory_space<vmem>>) target_semaphore(%arg16 : memref<!tpu.dma_semaphore, #tpu.memory_space<semaphore_mem>>)
    %scan3A_71 = arith.constant 0 : i32
    %scan3A_72 = arith.constant 0 : i32
    %scan3A_73 = arith.constant 24 : i32
    %scan3A_74 = arith.addi %scan3A_72, %scan3A_73 : i32
    %scan3A_75 = arith.constant 1 : i32
    %scan3A_76 = scf.for %scan3A_100 = %scan3A_72 to %scan3A_74 step %scan3A_75 iter_args(%scan3A_101 = %scan3A_71) -> (i32)  : i32 {
      %rem3A = arith.constant 2 : i32
      %rem3A_102 = arith.remsi %scan3A_100, %rem3A : i32
      %mul3A_103 = arith.constant 128 : i32
      %mul3A_104 = arith.muli %scan3A_100, %mul3A_103 : i32
      %add3A_105 = arith.addi %select_n3A, %mul3A_104 : i32
      %dma_wait3A = arith.constant 0 : i32
      %dma_wait3A_106 = arith.constant 0 : i32
      %dma_wait3A_107 = tpu.memref_slice %arg6[%rem3A_102, %dma_wait3A, %dma_wait3A_106] : memref<2x128x128xf32, #tpu.memory_space<vmem>> -> memref<1x128x128xf32, #tpu.memory_space<vmem>>
      %dma_wait3A_108 = tpu.memref_squeeze %dma_wait3A_107 : memref<1x128x128xf32, #tpu.memory_space<vmem>> -> memref<128x128xf32, #tpu.memory_space<vmem>>
      %dma_wait3A_109 = arith.constant 0 : i32
      %dma_wait3A_110 = tpu.memref_slice %arg2[%add3A_105, %dma_wait3A_109] : memref<100000x128xf32, #tpu.memory_space<hbm>> -> memref<128x128xf32, #tpu.memory_space<hbm>>
      %dma_wait3A_111 = arith.constant 0 : i32
      %dma_wait3A_112 = arith.constant 0 : i32
      %dma_wait3A_113 = tpu.memref_slice %arg6[%rem3A_102, %dma_wait3A_111, %dma_wait3A_112] : memref<2x128x128xf32, #tpu.memory_space<vmem>> -> memref<1x128x128xf32, #tpu.memory_space<vmem>>
      %dma_wait3A_114 = tpu.memref_squeeze %dma_wait3A_113 : memref<1x128x128xf32, #tpu.memory_space<vmem>> -> memref<128x128xf32, #tpu.memory_space<vmem>>
      %dma_wait3A_115 = arith.constant 0 : i32
      %dma_wait3A_116 = tpu.memref_slice %arg2[%add3A_105, %dma_wait3A_115] : memref<100000x128xf32, #tpu.memory_space<hbm>> -> memref<128x128xf32, #tpu.memory_space<hbm>>
      tpu.wait_dma2 semaphore(%arg16 : memref<!tpu.dma_semaphore, #tpu.memory_space<semaphore_mem>>) src(%dma_wait3A_116 : memref<128x128xf32, #tpu.memory_space<hbm>>) dst(%dma_wait3A_114 : memref<128x128xf32, #tpu.memory_space<vmem>>)
      %lt3A_117 = arith.constant 23 : i32
      %lt3A_118 = arith.cmpi slt, %scan3A_100, %lt3A_117 : i32
      %convert_element_type3A_119 = arith.extui %lt3A_118 : i1 to i32
      %cond3A_120 = arith.constant 0 : i32
      %cond3A_121 = arith.cmpi ne, %convert_element_type3A_119, %cond3A_120 : i32
      scf.if %cond3A_121 {
        %add3A_134 = arith.constant 1 : i32
        %add3A_135 = arith.addi %scan3A_100, %add3A_134 : i32
        %sub3A_136 = arith.constant 1 : i32
        %sub3A_137 = arith.subi %sub3A_136, %rem3A_102 : i32
        %mul3A_138 = arith.constant 128 : i32
        %mul3A_139 = arith.muli %add3A_135, %mul3A_138 : i32
        %add3A_140 = arith.addi %select_n3A, %mul3A_139 : i32
        %dma_start3A_141 = arith.constant 0 : i32
        %dma_start3A_142 = arith.constant 0 : i32
        %dma_start3A_143 = tpu.memref_slice %arg6[%sub3A_137, %dma_start3A_141, %dma_start3A_142] : memref<2x128x128xf32, #tpu.memory_space<vmem>> -> memref<1x128x128xf32, #tpu.memory_space<vmem>>
        %dma_start3A_144 = tpu.memref_squeeze %dma_start3A_143 : memref<1x128x128xf32, #tpu.memory_space<vmem>> -> memref<128x128xf32, #tpu.memory_space<vmem>>
        %dma_start3A_145 = arith.constant 0 : i32
        %dma_start3A_146 = tpu.memref_slice %arg2[%add3A_140, %dma_start3A_145] : memref<100000x128xf32, #tpu.memory_space<hbm>> -> memref<128x128xf32, #tpu.memory_space<hbm>>
        %dma_start3A_147 = arith.constant 0 : i32
        %dma_start3A_148 = arith.constant 0 : i32
        %dma_start3A_149 = tpu.memref_slice %arg6[%sub3A_137, %dma_start3A_147, %dma_start3A_148] : memref<2x128x128xf32, #tpu.memory_space<vmem>> -> memref<1x128x128xf32, #tpu.memory_space<vmem>>
        %dma_start3A_150 = tpu.memref_squeeze %dma_start3A_149 : memref<1x128x128xf32, #tpu.memory_space<vmem>> -> memref<128x128xf32, #tpu.memory_space<vmem>>
        %dma_start3A_151 = arith.constant 0 : i32
        %dma_start3A_152 = tpu.memref_slice %arg2[%add3A_140, %dma_start3A_151] : memref<100000x128xf32, #tpu.memory_space<hbm>> -> memref<128x128xf32, #tpu.memory_space<hbm>>
        tpu.enqueue_dma source(%dma_start3A_152 : memref<128x128xf32, #tpu.memory_space<hbm>>) target(%dma_start3A_150 : memref<128x128xf32, #tpu.memory_space<vmem>>) target_semaphore(%arg16 : memref<!tpu.dma_semaphore, #tpu.memory_space<semaphore_mem>>)
      } else {
      }
      %get3A_122 = arith.index_cast %scan3A_100 : i32 to index
      %get3A_123 = memref.load %arg11[%get3A_122] : memref<24xi32, #tpu.memory_space<smem>>
      %eq3A_124 = arith.constant 1 : i32
      %eq3A_125 = arith.cmpi eq, %get3A_123, %eq3A_124 : i32
      %convert_element_type3A_126 = arith.extui %eq3A_125 : i1 to i32
      %cond3A_127 = arith.constant 0 : i32
      %cond3A_128 = arith.cmpi ne, %convert_element_type3A_126, %cond3A_127 : i32
      scf.if %cond3A_128 {
        %broadcast_in_dim3A_134 = arith.constant 0.000000e+00 : f32
        %broadcast_in_dim3A_135 = vector.broadcast %broadcast_in_dim3A_134 : f32 to vector<16xf32>
        %broadcast_in_dim3A_136 = arith.constant 0.000000e+00 : f32
        %broadcast_in_dim3A_137 = vector.broadcast %broadcast_in_dim3A_136 : f32 to vector<16xf32>
        %broadcast_in_dim3A_138 = arith.constant 0.000000e+00 : f32
        %broadcast_in_dim3A_139 = vector.broadcast %broadcast_in_dim3A_138 : f32 to vector<16xf32>
        %broadcast_in_dim3A_140 = arith.constant 0.000000e+00 : f32
        %broadcast_in_dim3A_141 = vector.broadcast %broadcast_in_dim3A_140 : f32 to vector<16xf32>
        %broadcast_in_dim3A_142 = arith.constant 0.000000e+00 : f32
        %broadcast_in_dim3A_143 = vector.broadcast %broadcast_in_dim3A_142 : f32 to vector<16xf32>
        %broadcast_in_dim3A_144 = arith.constant 0.000000e+00 : f32
        %broadcast_in_dim3A_145 = vector.broadcast %broadcast_in_dim3A_144 : f32 to vector<16xf32>
        %broadcast_in_dim3A_146 = arith.constant 0.000000e+00 : f32
        %broadcast_in_dim3A_147 = vector.broadcast %broadcast_in_dim3A_146 : f32 to vector<16xf32>
        %broadcast_in_dim3A_148 = arith.constant 0.000000e+00 : f32
        %broadcast_in_dim3A_149 = vector.broadcast %broadcast_in_dim3A_148 : f32 to vector<16xf32>
        %scan3A_150 = arith.constant 0 : i32
        %scan3A_151 = arith.constant 128 : i32
        %scan3A_152 = arith.addi %scan3A_150, %scan3A_151 : i32
        %scan3A_153 = arith.constant 1 : i32
        %scan3A_154:8 = scf.for %scan3A_205 = %scan3A_150 to %scan3A_152 step %scan3A_153 iter_args(%scan3A_206 = %broadcast_in_dim3A_135, %scan3A_207 = %broadcast_in_dim3A_137, %scan3A_208 = %broadcast_in_dim3A_139, %scan3A_209 = %broadcast_in_dim3A_141, %scan3A_210 = %broadcast_in_dim3A_143, %scan3A_211 = %broadcast_in_dim3A_145, %scan3A_212 = %broadcast_in_dim3A_147, %scan3A_213 = %broadcast_in_dim3A_149) -> (vector<16xf32>, vector<16xf32>, vector<16xf32>, vector<16xf32>, vector<16xf32>, vector<16xf32>, vector<16xf32>, vector<16xf32>)  : i32 {
          %get3A_214 = arith.index_cast %rem3A_102 : i32 to index
          %get3A_215 = arith.index_cast %scan3A_205 : i32 to index
          %get3A_216 = arith.constant 0 : index
          %get3A_217 = tpu.vector_load %arg6[%get3A_214, %get3A_215, %get3A_216] {strides = array<i32>} : memref<2x128x128xf32, #tpu.memory_space<vmem>>, vector<1x1x16xf32>,
          %get3A_218 = vector.shape_cast %get3A_217 : vector<1x1x16xf32> to vector<16xf32>
          %add3A_219 = arith.addf %scan3A_206, %get3A_218 : vector<16xf32>
          %get3A_220 = arith.index_cast %rem3A_102 : i32 to index
          %get3A_221 = arith.index_cast %scan3A_205 : i32 to index
          %get3A_222 = arith.constant 16 : index
          %get3A_223 = tpu.vector_load %arg6[%get3A_220, %get3A_221, %get3A_222] {strides = array<i32>} : memref<2x128x128xf32, #tpu.memory_space<vmem>>, vector<1x1x16xf32>,
          %get3A_224 = vector.shape_cast %get3A_223 : vector<1x1x16xf32> to vector<16xf32>
          %add3A_225 = arith.addf %scan3A_207, %get3A_224 : vector<16xf32>
          %get3A_226 = arith.index_cast %rem3A_102 : i32 to index
          %get3A_227 = arith.index_cast %scan3A_205 : i32 to index
          %get3A_228 = arith.constant 32 : index
          %get3A_229 = tpu.vector_load %arg6[%get3A_226, %get3A_227, %get3A_228] {strides = array<i32>} : memref<2x128x128xf32, #tpu.memory_space<vmem>>, vector<1x1x16xf32>,
          %get3A_230 = vector.shape_cast %get3A_229 : vector<1x1x16xf32> to vector<16xf32>
          %add3A_231 = arith.addf %scan3A_208, %get3A_230 : vector<16xf32>
          %get3A_232 = arith.index_cast %rem3A_102 : i32 to index
          %get3A_233 = arith.index_cast %scan3A_205 : i32 to index
          %get3A_234 = arith.constant 48 : index
          %get3A_235 = tpu.vector_load %arg6[%get3A_232, %get3A_233, %get3A_234] {strides = array<i32>} : memref<2x128x128xf32, #tpu.memory_space<vmem>>, vector<1x1x16xf32>,
          %get3A_236 = vector.shape_cast %get3A_235 : vector<1x1x16xf32> to vector<16xf32>
          %add3A_237 = arith.addf %scan3A_209, %get3A_236 : vector<16xf32>
          %get3A_238 = arith.index_cast %rem3A_102 : i32 to index
          %get3A_239 = arith.index_cast %scan3A_205 : i32 to index
          %get3A_240 = arith.constant 64 : index
          %get3A_241 = tpu.vector_load %arg6[%get3A_238, %get3A_239, %get3A_240] {strides = array<i32>} : memref<2x128x128xf32, #tpu.memory_space<vmem>>, vector<1x1x16xf32>,
          %get3A_242 = vector.shape_cast %get3A_241 : vector<1x1x16xf32> to vector<16xf32>
          %add3A_243 = arith.addf %scan3A_210, %get3A_242 : vector<16xf32>
          %get3A_244 = arith.index_cast %rem3A_102 : i32 to index
          %get3A_245 = arith.index_cast %scan3A_205 : i32 to index
          %get3A_246 = arith.constant 80 : index
          %get3A_247 = tpu.vector_load %arg6[%get3A_244, %get3A_245, %get3A_246] {strides = array<i32>} : memref<2x128x128xf32, #tpu.memory_space<vmem>>, vector<1x1x16xf32>,
          %get3A_248 = vector.shape_cast %get3A_247 : vector<1x1x16xf32> to vector<16xf32>
          %add3A_249 = arith.addf %scan3A_211, %get3A_248 : vector<16xf32>
          %get3A_250 = arith.index_cast %rem3A_102 : i32 to index
          %get3A_251 = arith.index_cast %scan3A_205 : i32 to index
          %get3A_252 = arith.constant 96 : index
          %get3A_253 = tpu.vector_load %arg6[%get3A_250, %get3A_251, %get3A_252] {strides = array<i32>} : memref<2x128x128xf32, #tpu.memory_space<vmem>>, vector<1x1x16xf32>,
          %get3A_254 = vector.shape_cast %get3A_253 : vector<1x1x16xf32> to vector<16xf32>
          %add3A_255 = arith.addf %scan3A_212, %get3A_254 : vector<16xf32>
          %get3A_256 = arith.index_cast %rem3A_102 : i32 to index
          %get3A_257 = arith.index_cast %scan3A_205 : i32 to index
          %get3A_258 = arith.constant 112 : index
          %get3A_259 = tpu.vector_load %arg6[%get3A_256, %get3A_257, %get3A_258] {strides = array<i32>} : memref<2x128x128xf32, #tpu.memory_space<vmem>>, vector<1x1x16xf32>,
          %get3A_260 = vector.shape_cast %get3A_259 : vector<1x1x16xf32> to vector<16xf32>
          %add3A_261 = arith.addf %scan3A_213, %get3A_260 : vector<16xf32>
          scf.yield %add3A_219, %add3A_225, %add3A_231, %add3A_237, %add3A_243, %add3A_249, %add3A_255, %add3A_261 : vector<16xf32>, vector<16xf32>, vector<16xf32>, vector<16xf32>, vector<16xf32>, vector<16xf32>, vector<16xf32>, vector<16xf32>
        }
        %scan3A_155 = arith.constant 128 : i32
        %swap3A = arith.constant 0 : i32
        %swap3A_156 = arith.index_cast %swap3A : i32 to index
        %swap3A_157 = arith.constant 0 : index
        %swap3A_158 = tpu.vector_load %arg7[%swap3A_156, %swap3A_157] {strides = array<i32>} : memref<1x128xf32, #tpu.memory_space<vmem>>, vector<1x16xf32>,
        %swap3A_159 = vector.shape_cast %swap3A_158 : vector<1x16xf32> to vector<16xf32>
        %swap3A_160 = vector.shape_cast %scan3A_154#0 : vector<16xf32> to vector<1x16xf32>
        tpu.vector_store %arg7[%swap3A_156, %swap3A_157], %swap3A_160 {strides = array<i32>} : memref<1x128xf32, #tpu.memory_space<vmem>>, vector<1x16xf32>,
        %swap3A_161 = arith.constant 0 : i32
        %swap3A_162 = arith.index_cast %swap3A_161 : i32 to index
        %swap3A_163 = arith.constant 16 : index
        %swap3A_164 = tpu.vector_load %arg7[%swap3A_162, %swap3A_163] {strides = array<i32>} : memref<1x128xf32, #tpu.memory_space<vmem>>, vector<1x16xf32>,
        %swap3A_165 = vector.shape_cast %swap3A_164 : vector<1x16xf32> to vector<16xf32>
        %swap3A_166 = vector.shape_cast %scan3A_154#1 : vector<16xf32> to vector<1x16xf32>
        tpu.vector_store %arg7[%swap3A_162, %swap3A_163], %swap3A_166 {strides = array<i32>} : memref<1x128xf32, #tpu.memory_space<vmem>>, vector<1x16xf32>,
        %swap3A_167 = arith.constant 0 : i32
        %swap3A_168 = arith.index_cast %swap3A_167 : i32 to index
        %swap3A_169 = arith.constant 32 : index
        %swap3A_170 = tpu.vector_load %arg7[%swap3A_168, %swap3A_169] {strides = array<i32>} : memref<1x128xf32, #tpu.memory_space<vmem>>, vector<1x16xf32>,
        %swap3A_171 = vector.shape_cast %swap3A_170 : vector<1x16xf32> to vector<16xf32>
        %swap3A_172 = vector.shape_cast %scan3A_154#2 : vector<16xf32> to vector<1x16xf32>
        tpu.vector_store %arg7[%swap3A_168, %swap3A_169], %swap3A_172 {strides = array<i32>} : memref<1x128xf32, #tpu.memory_space<vmem>>, vector<1x16xf32>,
        %swap3A_173 = arith.constant 0 : i32
        %swap3A_174 = arith.index_cast %swap3A_173 : i32 to index
        %swap3A_175 = arith.constant 48 : index
        %swap3A_176 = tpu.vector_load %arg7[%swap3A_174, %swap3A_175] {strides = array<i32>} : memref<1x128xf32, #tpu.memory_space<vmem>>, vector<1x16xf32>,
        %swap3A_177 = vector.shape_cast %swap3A_176 : vector<1x16xf32> to vector<16xf32>
        %swap3A_178 = vector.shape_cast %scan3A_154#3 : vector<16xf32> to vector<1x16xf32>
        tpu.vector_store %arg7[%swap3A_174, %swap3A_175], %swap3A_178 {strides = array<i32>} : memref<1x128xf32, #tpu.memory_space<vmem>>, vector<1x16xf32>,
        %swap3A_179 = arith.constant 0 : i32
        %swap3A_180 = arith.index_cast %swap3A_179 : i32 to index
        %swap3A_181 = arith.constant 64 : index
        %swap3A_182 = tpu.vector_load %arg7[%swap3A_180, %swap3A_181] {strides = array<i32>} : memref<1x128xf32, #tpu.memory_space<vmem>>, vector<1x16xf32>,
        %swap3A_183 = vector.shape_cast %swap3A_182 : vector<1x16xf32> to vector<16xf32>
        %swap3A_184 = vector.shape_cast %scan3A_154#4 : vector<16xf32> to vector<1x16xf32>
        tpu.vector_store %arg7[%swap3A_180, %swap3A_181], %swap3A_184 {strides = array<i32>} : memref<1x128xf32, #tpu.memory_space<vmem>>, vector<1x16xf32>,
        %swap3A_185 = arith.constant 0 : i32
        %swap3A_186 = arith.index_cast %swap3A_185 : i32 to index
        %swap3A_187 = arith.constant 80 : index
        %swap3A_188 = tpu.vector_load %arg7[%swap3A_186, %swap3A_187] {strides = array<i32>} : memref<1x128xf32, #tpu.memory_space<vmem>>, vector<1x16xf32>,
        %swap3A_189 = vector.shape_cast %swap3A_188 : vector<1x16xf32> to vector<16xf32>
        %swap3A_190 = vector.shape_cast %scan3A_154#5 : vector<16xf32> to vector<1x16xf32>
        tpu.vector_store %arg7[%swap3A_186, %swap3A_187], %swap3A_190 {strides = array<i32>} : memref<1x128xf32, #tpu.memory_space<vmem>>, vector<1x16xf32>,
        %swap3A_191 = arith.constant 0 : i32
        %swap3A_192 = arith.index_cast %swap3A_191 : i32 to index
        %swap3A_193 = arith.constant 96 : index
        %swap3A_194 = tpu.vector_load %arg7[%swap3A_192, %swap3A_193] {strides = array<i32>} : memref<1x128xf32, #tpu.memory_space<vmem>>, vector<1x16xf32>,
        %swap3A_195 = vector.shape_cast %swap3A_194 : vector<1x16xf32> to vector<16xf32>
        %swap3A_196 = vector.shape_cast %scan3A_154#6 : vector<16xf32> to vector<1x16xf32>
        tpu.vector_store %arg7[%swap3A_192, %swap3A_193], %swap3A_196 {strides = array<i32>} : memref<1x128xf32, #tpu.memory_space<vmem>>, vector<1x16xf32>,
        %swap3A_197 = arith.constant 0 : i32
        %swap3A_198 = arith.index_cast %swap3A_197 : i32 to index
        %swap3A_199 = arith.constant 112 : index
        %swap3A_200 = tpu.vector_load %arg7[%swap3A_198, %swap3A_199] {strides = array<i32>} : memref<1x128xf32, #tpu.memory_space<vmem>>, vector<1x16xf32>,
        %swap3A_201 = vector.shape_cast %swap3A_200 : vector<1x16xf32> to vector<16xf32>
        %swap3A_202 = vector.shape_cast %scan3A_154#7 : vector<16xf32> to vector<1x16xf32>
        tpu.vector_store %arg7[%swap3A_198, %swap3A_199], %swap3A_202 {strides = array<i32>} : memref<1x128xf32, #tpu.memory_space<vmem>>, vector<1x16xf32>,
        %mul3A_203 = arith.constant 128 : i32
        %mul3A_204 = arith.muli %scan3A_100, %mul3A_203 : i32
        "tpu.region"() ({
          %run_scoped3A = tpu.sem_alloc : memref<!tpu.dma_semaphore, #tpu.memory_space<semaphore_mem>>
          %dma_start3A_205 = tpu.memref_slice %arg8[%mul3A_204] : memref<3136xi32, #tpu.memory_space<vmem>> -> memref<1xi32, #tpu.memory_space<vmem>>
          %dma_start3A_206 = arith.constant 0 : i32
          %dma_start3A_207 = arith.constant 0 : i32
          %dma_start3A_208 = tpu.memref_slice %arg14[%dma_start3A_206, %dma_start3A_207] : memref<256x128xf32, #tpu.memory_space<vmem_shared>> -> memref<256x128xf32, #tpu.memory_space<vmem_shared>>
          tpu.enqueue_indirect_dma source(%arg7 : memref<1x128xf32, #tpu.memory_space<vmem>>) target(%dma_start3A_208 : memref<256x128xf32, #tpu.memory_space<vmem_shared>>) offsets(%dma_start3A_205 : memref<1xi32, #tpu.memory_space<vmem>>) semaphore(%run_scoped3A : memref<!tpu.dma_semaphore, #tpu.memory_space<semaphore_mem>>) {add = true}
          %dma_wait3A_209 = tpu.memref_slice %arg8[%mul3A_204] : memref<3136xi32, #tpu.memory_space<vmem>> -> memref<1xi32, #tpu.memory_space<vmem>>
          %dma_wait3A_210 = arith.constant 0 : i32
          %dma_wait3A_211 = arith.constant 0 : i32
          %dma_wait3A_212 = tpu.memref_slice %arg14[%dma_wait3A_210, %dma_wait3A_211] : memref<256x128xf32, #tpu.memory_space<vmem_shared>> -> memref<256x128xf32, #tpu.memory_space<vmem_shared>>
          tpu.wait_indirect_dma semaphore(%run_scoped3A : memref<!tpu.dma_semaphore, #tpu.memory_space<semaphore_mem>>) src(%arg7 : memref<1x128xf32, #tpu.memory_space<vmem>>) dst(%dma_wait3A_212 : memref<256x128xf32, #tpu.memory_space<vmem_shared>>)
          tpu.yield
        }) : () -> ()
      } else {
      }
      %not3A = arith.constant true
      %not3A_129 = arith.xori %eq3A_125, %not3A : i1
      %convert_element_type3A_130 = arith.extui %not3A_129 : i1 to i32
      %cond3A_131 = arith.constant 0 : i32
      %cond3A_132 = arith.cmpi ne, %convert_element_type3A_130, %cond3A_131 : i32
      scf.if %cond3A_132 {
        %mul3A_134 = arith.constant 128 : i32
        %mul3A_135 = arith.muli %scan3A_100, %mul3A_134 : i32
        "tpu.region"() ({
          %run_scoped3A = tpu.sem_alloc : memref<!tpu.dma_semaphore, #tpu.memory_space<semaphore_mem>>
          %dma_start3A_136 = arith.constant 0 : i32
          %dma_start3A_137 = arith.constant 0 : i32
          %dma_start3A_138 = tpu.memref_slice %arg6[%rem3A_102, %dma_start3A_136, %dma_start3A_137] : memref<2x128x128xf32, #tpu.memory_space<vmem>> -> memref<1x128x128xf32, #tpu.memory_space<vmem>>
          %dma_start3A_139 = tpu.memref_squeeze %dma_start3A_138 : memref<1x128x128xf32, #tpu.memory_space<vmem>> -> memref<128x128xf32, #tpu.memory_space<vmem>>
          %dma_start3A_140 = tpu.memref_slice %arg8[%mul3A_135] : memref<3136xi32, #tpu.memory_space<vmem>> -> memref<128xi32, #tpu.memory_space<vmem>>
          %dma_start3A_141 = arith.constant 0 : i32
          %dma_start3A_142 = arith.constant 0 : i32
          %dma_start3A_143 = tpu.memref_slice %arg14[%dma_start3A_141, %dma_start3A_142] : memref<256x128xf32, #tpu.memory_space<vmem_shared>> -> memref<256x128xf32, #tpu.memory_space<vmem_shared>>
          tpu.enqueue_indirect_dma source(%dma_start3A_139 : memref<128x128xf32, #tpu.memory_space<vmem>>) target(%dma_start3A_143 : memref<256x128xf32, #tpu.memory_space<vmem_shared>>) offsets(%dma_start3A_140 : memref<128xi32, #tpu.memory_space<vmem>>) semaphore(%run_scoped3A : memref<!tpu.dma_semaphore, #tpu.memory_space<semaphore_mem>>) {add = true}
          %dma_wait3A_144 = arith.constant 0 : i32
          %dma_wait3A_145 = arith.constant 0 : i32
          %dma_wait3A_146 = tpu.memref_slice %arg6[%rem3A_102, %dma_wait3A_144, %dma_wait3A_145] : memref<2x128x128xf32, #tpu.memory_space<vmem>> -> memref<1x128x128xf32, #tpu.memory_space<vmem>>
          %dma_wait3A_147 = tpu.memref_squeeze %dma_wait3A_146 : memref<1x128x128xf32, #tpu.memory_space<vmem>> -> memref<128x128xf32, #tpu.memory_space<vmem>>
          %dma_wait3A_148 = tpu.memref_slice %arg8[%mul3A_135] : memref<3136xi32, #tpu.memory_space<vmem>> -> memref<128xi32, #tpu.memory_space<vmem>>
          %dma_wait3A_149 = arith.constant 0 : i32
          %dma_wait3A_150 = arith.constant 0 : i32
          %dma_wait3A_151 = tpu.memref_slice %arg14[%dma_wait3A_149, %dma_wait3A_150] : memref<256x128xf32, #tpu.memory_space<vmem_shared>> -> memref<256x128xf32, #tpu.memory_space<vmem_shared>>
          tpu.wait_indirect_dma semaphore(%run_scoped3A : memref<!tpu.dma_semaphore, #tpu.memory_space<semaphore_mem>>) src(%dma_wait3A_147 : memref<128x128xf32, #tpu.memory_space<vmem>>) dst(%dma_wait3A_151 : memref<256x128xf32, #tpu.memory_space<vmem_shared>>)
          tpu.yield
        }) : () -> ()
      } else {
      }
      %scan3A_133 = arith.constant 0 : i32
      scf.yield %scan3A_133 : i32
    }
    %scan3A_77 = arith.constant 24 : i32
    %lt3A_78 = arith.constant 20 : i32
    %lt3A_79 = arith.cmpi slt, %add3A, %lt3A_78 : i32
    %convert_element_type3A_80 = arith.extui %lt3A_79 : i1 to i32
    %cond3A_81 = arith.constant 0 : i32
    %cond3A_82 = arith.cmpi ne, %convert_element_type3A_80, %cond3A_81 : i32
    scf.if %cond3A_82 {
      %run_scoped3A = arith.constant 0 : i32
      "tpu.region"() ({
        %run_scoped3A_101 = tpu.sem_alloc : memref<!tpu.dma_semaphore, #tpu.memory_space<semaphore_mem>>
        %dma_start3A_102 = arith.constant 0 : i32
        %dma_start3A_103 = arith.constant 0 : i32
        %dma_start3A_104 = tpu.memref_slice %arg6[%run_scoped3A, %dma_start3A_102, %dma_start3A_103] : memref<2x128x128xf32, #tpu.memory_space<vmem>> -> memref<1x56x128xf32, #tpu.memory_space<vmem>>
        %dma_start3A_105 = tpu.memref_squeeze %dma_start3A_104 : memref<1x56x128xf32, #tpu.memory_space<vmem>> -> memref<56x128xf32, #tpu.memory_space<vmem>>
        %dma_start3A_106 = arith.constant 0 : i32
        %dma_start3A_107 = tpu.memref_slice %arg2[%add3A_33, %dma_start3A_106] : memref<100000x128xf32, #tpu.memory_space<hbm>> -> memref<56x128xf32, #tpu.memory_space<hbm>>
        %dma_start3A_108 = arith.constant 0 : i32
        %dma_start3A_109 = arith.constant 0 : i32
        %dma_start3A_110 = tpu.memref_slice %arg6[%run_scoped3A, %dma_start3A_108, %dma_start3A_109] : memref<2x128x128xf32, #tpu.memory_space<vmem>> -> memref<1x56x128xf32, #tpu.memory_space<vmem>>
        %dma_start3A_111 = tpu.memref_squeeze %dma_start3A_110 : memref<1x56x128xf32, #tpu.memory_space<vmem>> -> memref<56x128xf32, #tpu.memory_space<vmem>>
        %dma_start3A_112 = arith.constant 0 : i32
        %dma_start3A_113 = tpu.memref_slice %arg2[%add3A_33, %dma_start3A_112] : memref<100000x128xf32, #tpu.memory_space<hbm>> -> memref<56x128xf32, #tpu.memory_space<hbm>>
        tpu.enqueue_dma source(%dma_start3A_113 : memref<56x128xf32, #tpu.memory_space<hbm>>) target(%dma_start3A_111 : memref<56x128xf32, #tpu.memory_space<vmem>>) target_semaphore(%run_scoped3A_101 : memref<!tpu.dma_semaphore, #tpu.memory_space<semaphore_mem>>)
        %dma_wait3A = arith.constant 0 : i32
        %dma_wait3A_114 = arith.constant 0 : i32
        %dma_wait3A_115 = tpu.memref_slice %arg6[%run_scoped3A, %dma_wait3A, %dma_wait3A_114] : memref<2x128x128xf32, #tpu.memory_space<vmem>> -> memref<1x56x128xf32, #tpu.memory_space<vmem>>
        %dma_wait3A_116 = tpu.memref_squeeze %dma_wait3A_115 : memref<1x56x128xf32, #tpu.memory_space<vmem>> -> memref<56x128xf32, #tpu.memory_space<vmem>>
        %dma_wait3A_117 = arith.constant 0 : i32
        %dma_wait3A_118 = tpu.memref_slice %arg2[%add3A_33, %dma_wait3A_117] : memref<100000x128xf32, #tpu.memory_space<hbm>> -> memref<56x128xf32, #tpu.memory_space<hbm>>
        %dma_wait3A_119 = arith.constant 0 : i32
        %dma_wait3A_120 = arith.constant 0 : i32
        %dma_wait3A_121 = tpu.memref_slice %arg6[%run_scoped3A, %dma_wait3A_119, %dma_wait3A_120] : memref<2x128x128xf32, #tpu.memory_space<vmem>> -> memref<1x56x128xf32, #tpu.memory_space<vmem>>
        %dma_wait3A_122 = tpu.memref_squeeze %dma_wait3A_121 : memref<1x56x128xf32, #tpu.memory_space<vmem>> -> memref<56x128xf32, #tpu.memory_space<vmem>>
        %dma_wait3A_123 = arith.constant 0 : i32
        %dma_wait3A_124 = tpu.memref_slice %arg2[%add3A_33, %dma_wait3A_123] : memref<100000x128xf32, #tpu.memory_space<hbm>> -> memref<56x128xf32, #tpu.memory_space<hbm>>
        tpu.wait_dma2 semaphore(%run_scoped3A_101 : memref<!tpu.dma_semaphore, #tpu.memory_space<semaphore_mem>>) src(%dma_wait3A_124 : memref<56x128xf32, #tpu.memory_space<hbm>>) dst(%dma_wait3A_122 : memref<56x128xf32, #tpu.memory_space<vmem>>)
        tpu.yield
      }) : () -> ()
      %run_scoped3A_100 = arith.constant 0 : i32
      "tpu.region"() ({
        %run_scoped3A_101 = tpu.sem_alloc : memref<!tpu.dma_semaphore, #tpu.memory_space<semaphore_mem>>
        %dma_start3A_102 = arith.constant 0 : i32
        %dma_start3A_103 = arith.constant 0 : i32
        %dma_start3A_104 = tpu.memref_slice %arg6[%run_scoped3A_100, %dma_start3A_102, %dma_start3A_103] : memref<2x128x128xf32, #tpu.memory_space<vmem>> -> memref<1x56x128xf32, #tpu.memory_space<vmem>>
        %dma_start3A_105 = tpu.memref_squeeze %dma_start3A_104 : memref<1x56x128xf32, #tpu.memory_space<vmem>> -> memref<56x128xf32, #tpu.memory_space<vmem>>
        %dma_start3A_106 = arith.constant 3072 : i32
        %dma_start3A_107 = tpu.memref_slice %arg8[%dma_start3A_106] : memref<3136xi32, #tpu.memory_space<vmem>> -> memref<56xi32, #tpu.memory_space<vmem>>
        %dma_start3A_108 = arith.constant 0 : i32
        %dma_start3A_109 = arith.constant 0 : i32
        %dma_start3A_110 = tpu.memref_slice %arg14[%dma_start3A_108, %dma_start3A_109] : memref<256x128xf32, #tpu.memory_space<vmem_shared>> -> memref<256x128xf32, #tpu.memory_space<vmem_shared>>
        tpu.enqueue_indirect_dma source(%dma_start3A_105 : memref<56x128xf32, #tpu.memory_space<vmem>>) target(%dma_start3A_110 : memref<256x128xf32, #tpu.memory_space<vmem_shared>>) offsets(%dma_start3A_107 : memref<56xi32, #tpu.memory_space<vmem>>) semaphore(%run_scoped3A_101 : memref<!tpu.dma_semaphore, #tpu.memory_space<semaphore_mem>>) {add = true}
        %dma_wait3A = arith.constant 0 : i32
        %dma_wait3A_111 = arith.constant 0 : i32
        %dma_wait3A_112 = tpu.memref_slice %arg6[%run_scoped3A_100, %dma_wait3A, %dma_wait3A_111] : memref<2x128x128xf32, #tpu.memory_space<vmem>> -> memref<1x56x128xf32, #tpu.memory_space<vmem>>
        %dma_wait3A_113 = tpu.memref_squeeze %dma_wait3A_112 : memref<1x56x128xf32, #tpu.memory_space<vmem>> -> memref<56x128xf32, #tpu.memory_space<vmem>>
        %dma_wait3A_114 = arith.constant 3072 : i32
        %dma_wait3A_115 = tpu.memref_slice %arg8[%dma_wait3A_114] : memref<3136xi32, #tpu.memory_space<vmem>> -> memref<56xi32, #tpu.memory_space<vmem>>
        %dma_wait3A_116 = arith.constant 0 : i32
        %dma_wait3A_117 = arith.constant 0 : i32
        %dma_wait3A_118 = tpu.memref_slice %arg14[%dma_wait3A_116, %dma_wait3A_117] : memref<256x128xf32, #tpu.memory_space<vmem_shared>> -> memref<256x128xf32, #tpu.memory_space<vmem_shared>>
        tpu.wait_indirect_dma semaphore(%run_scoped3A_101 : memref<!tpu.dma_semaphore, #tpu.memory_space<semaphore_mem>>) src(%dma_wait3A_113 : memref<56x128xf32, #tpu.memory_space<vmem>>) dst(%dma_wait3A_118 : memref<256x128xf32, #tpu.memory_space<vmem_shared>>)
        tpu.yield
      }) : () -> ()
    } else {
    }
    %ge3A_83 = arith.constant 20 : i32
    %ge3A_84 = arith.cmpi sge, %add3A, %ge3A_83 : i32
    %convert_element_type3A_85 = arith.extui %ge3A_84 : i1 to i32
    %cond3A_86 = arith.constant 0 : i32
    %cond3A_87 = arith.cmpi ne, %convert_element_type3A_85, %cond3A_86 : i32
    scf.if %cond3A_87 {
      %run_scoped3A = arith.constant 0 : i32
      "tpu.region"() ({
        %run_scoped3A_101 = tpu.sem_alloc : memref<!tpu.dma_semaphore, #tpu.memory_space<semaphore_mem>>
        %dma_start3A_102 = arith.constant 0 : i32
        %dma_start3A_103 = arith.constant 0 : i32
        %dma_start3A_104 = tpu.memref_slice %arg6[%run_scoped3A, %dma_start3A_102, %dma_start3A_103] : memref<2x128x128xf32, #tpu.memory_space<vmem>> -> memref<1x48x128xf32, #tpu.memory_space<vmem>>
        %dma_start3A_105 = tpu.memref_squeeze %dma_start3A_104 : memref<1x48x128xf32, #tpu.memory_space<vmem>> -> memref<48x128xf32, #tpu.memory_space<vmem>>
        %dma_start3A_106 = arith.constant 0 : i32
        %dma_start3A_107 = tpu.memref_slice %arg2[%add3A_33, %dma_start3A_106] : memref<100000x128xf32, #tpu.memory_space<hbm>> -> memref<48x128xf32, #tpu.memory_space<hbm>>
        %dma_start3A_108 = arith.constant 0 : i32
        %dma_start3A_109 = arith.constant 0 : i32
        %dma_start3A_110 = tpu.memref_slice %arg6[%run_scoped3A, %dma_start3A_108, %dma_start3A_109] : memref<2x128x128xf32, #tpu.memory_space<vmem>> -> memref<1x48x128xf32, #tpu.memory_space<vmem>>
        %dma_start3A_111 = tpu.memref_squeeze %dma_start3A_110 : memref<1x48x128xf32, #tpu.memory_space<vmem>> -> memref<48x128xf32, #tpu.memory_space<vmem>>
        %dma_start3A_112 = arith.constant 0 : i32
        %dma_start3A_113 = tpu.memref_slice %arg2[%add3A_33, %dma_start3A_112] : memref<100000x128xf32, #tpu.memory_space<hbm>> -> memref<48x128xf32, #tpu.memory_space<hbm>>
        tpu.enqueue_dma source(%dma_start3A_113 : memref<48x128xf32, #tpu.memory_space<hbm>>) target(%dma_start3A_111 : memref<48x128xf32, #tpu.memory_space<vmem>>) target_semaphore(%run_scoped3A_101 : memref<!tpu.dma_semaphore, #tpu.memory_space<semaphore_mem>>)
        %dma_wait3A = arith.constant 0 : i32
        %dma_wait3A_114 = arith.constant 0 : i32
        %dma_wait3A_115 = tpu.memref_slice %arg6[%run_scoped3A, %dma_wait3A, %dma_wait3A_114] : memref<2x128x128xf32, #tpu.memory_space<vmem>> -> memref<1x48x128xf32, #tpu.memory_space<vmem>>
        %dma_wait3A_116 = tpu.memref_squeeze %dma_wait3A_115 : memref<1x48x128xf32, #tpu.memory_space<vmem>> -> memref<48x128xf32, #tpu.memory_space<vmem>>
        %dma_wait3A_117 = arith.constant 0 : i32
        %dma_wait3A_118 = tpu.memref_slice %arg2[%add3A_33, %dma_wait3A_117] : memref<100000x128xf32, #tpu.memory_space<hbm>> -> memref<48x128xf32, #tpu.memory_space<hbm>>
        %dma_wait3A_119 = arith.constant 0 : i32
        %dma_wait3A_120 = arith.constant 0 : i32
        %dma_wait3A_121 = tpu.memref_slice %arg6[%run_scoped3A, %dma_wait3A_119, %dma_wait3A_120] : memref<2x128x128xf32, #tpu.memory_space<vmem>> -> memref<1x48x128xf32, #tpu.memory_space<vmem>>
        %dma_wait3A_122 = tpu.memref_squeeze %dma_wait3A_121 : memref<1x48x128xf32, #tpu.memory_space<vmem>> -> memref<48x128xf32, #tpu.memory_space<vmem>>
        %dma_wait3A_123 = arith.constant 0 : i32
        %dma_wait3A_124 = tpu.memref_slice %arg2[%add3A_33, %dma_wait3A_123] : memref<100000x128xf32, #tpu.memory_space<hbm>> -> memref<48x128xf32, #tpu.memory_space<hbm>>
        tpu.wait_dma2 semaphore(%run_scoped3A_101 : memref<!tpu.dma_semaphore, #tpu.memory_space<semaphore_mem>>) src(%dma_wait3A_124 : memref<48x128xf32, #tpu.memory_space<hbm>>) dst(%dma_wait3A_122 : memref<48x128xf32, #tpu.memory_space<vmem>>)
        tpu.yield
      }) : () -> ()
      %run_scoped3A_100 = arith.constant 0 : i32
      "tpu.region"() ({
        %run_scoped3A_101 = tpu.sem_alloc : memref<!tpu.dma_semaphore, #tpu.memory_space<semaphore_mem>>
        %dma_start3A_102 = arith.constant 0 : i32
        %dma_start3A_103 = arith.constant 0 : i32
        %dma_start3A_104 = tpu.memref_slice %arg6[%run_scoped3A_100, %dma_start3A_102, %dma_start3A_103] : memref<2x128x128xf32, #tpu.memory_space<vmem>> -> memref<1x48x128xf32, #tpu.memory_space<vmem>>
        %dma_start3A_105 = tpu.memref_squeeze %dma_start3A_104 : memref<1x48x128xf32, #tpu.memory_space<vmem>> -> memref<48x128xf32, #tpu.memory_space<vmem>>
        %dma_start3A_106 = arith.constant 3072 : i32
        %dma_start3A_107 = tpu.memref_slice %arg8[%dma_start3A_106] : memref<3136xi32, #tpu.memory_space<vmem>> -> memref<48xi32, #tpu.memory_space<vmem>>
        %dma_start3A_108 = arith.constant 0 : i32
        %dma_start3A_109 = arith.constant 0 : i32
        %dma_start3A_110 = tpu.memref_slice %arg14[%dma_start3A_108, %dma_start3A_109] : memref<256x128xf32, #tpu.memory_space<vmem_shared>> -> memref<256x128xf32, #tpu.memory_space<vmem_shared>>
        tpu.enqueue_indirect_dma source(%dma_start3A_105 : memref<48x128xf32, #tpu.memory_space<vmem>>) target(%dma_start3A_110 : memref<256x128xf32, #tpu.memory_space<vmem_shared>>) offsets(%dma_start3A_107 : memref<48xi32, #tpu.memory_space<vmem>>) semaphore(%run_scoped3A_101 : memref<!tpu.dma_semaphore, #tpu.memory_space<semaphore_mem>>) {add = true}
        %dma_wait3A = arith.constant 0 : i32
        %dma_wait3A_111 = arith.constant 0 : i32
        %dma_wait3A_112 = tpu.memref_slice %arg6[%run_scoped3A_100, %dma_wait3A, %dma_wait3A_111] : memref<2x128x128xf32, #tpu.memory_space<vmem>> -> memref<1x48x128xf32, #tpu.memory_space<vmem>>
        %dma_wait3A_113 = tpu.memref_squeeze %dma_wait3A_112 : memref<1x48x128xf32, #tpu.memory_space<vmem>> -> memref<48x128xf32, #tpu.memory_space<vmem>>
        %dma_wait3A_114 = arith.constant 3072 : i32
        %dma_wait3A_115 = tpu.memref_slice %arg8[%dma_wait3A_114] : memref<3136xi32, #tpu.memory_space<vmem>> -> memref<48xi32, #tpu.memory_space<vmem>>
        %dma_wait3A_116 = arith.constant 0 : i32
        %dma_wait3A_117 = arith.constant 0 : i32
        %dma_wait3A_118 = tpu.memref_slice %arg14[%dma_wait3A_116, %dma_wait3A_117] : memref<256x128xf32, #tpu.memory_space<vmem_shared>> -> memref<256x128xf32, #tpu.memory_space<vmem_shared>>
        tpu.wait_indirect_dma semaphore(%run_scoped3A_101 : memref<!tpu.dma_semaphore, #tpu.memory_space<semaphore_mem>>) src(%dma_wait3A_113 : memref<48x128xf32, #tpu.memory_space<vmem>>) dst(%dma_wait3A_118 : memref<256x128xf32, #tpu.memory_space<vmem_shared>>)
        tpu.yield
      }) : () -> ()
    } else {
    }
    %iota3A = tpu.iota {dimensions = array<i32: 0>} : vector<16xi32>
    %scan3A_88 = arith.constant 0 : i32
    %scan3A_89 = arith.constant 0 : i32
    %scan3A_90 = arith.constant 16 : i32
    %scan3A_91 = arith.addi %scan3A_89, %scan3A_90 : i32
    %scan3A_92 = arith.constant 1 : i32
    %scan3A_93 = scf.for %scan3A_100 = %scan3A_89 to %scan3A_91 step %scan3A_92 iter_args(%scan3A_101 = %scan3A_88) -> (i32)  : i32 {
      %broadcast_in_dim3A_102 = arith.constant 0 : i32
      %broadcast_in_dim3A_103 = vector.broadcast %broadcast_in_dim3A_102 : i32 to vector<16xi32>
      %eq3A_104 = arith.constant 0 : i32
      %eq3A_105 = vector.broadcast %eq3A_104 : i32 to vector<16xi32>
      %eq3A_106 = arith.cmpi eq, %iota3A, %eq3A_105 : vector<16xi32>
      %mul3A_107 = arith.constant 16 : i32
      %mul3A_108 = arith.muli %scan3A_100, %mul3A_107 : i32
      %add3A_109 = arith.constant 0 : i32
      %add3A_110 = arith.addi %mul3A_108, %add3A_109 : i32
      %get3A_111 = arith.index_cast %add3A_110 : i32 to index
      %get3A_112 = memref.load %arg10[%get3A_111] : memref<256xi32, #tpu.memory_space<smem>>
      %broadcast_in_dim3A_113 = vector.broadcast %get3A_112 : i32 to vector<16xi32>
      %select_n3A_114 = arith.select %eq3A_106, %broadcast_in_dim3A_113, %broadcast_in_dim3A_103 : vector<16xi1>, vector<16xi32>
      %eq3A_115 = arith.constant 1 : i32
      %eq3A_116 = vector.broadcast %eq3A_115 : i32 to vector<16xi32>
      %eq3A_117 = arith.cmpi eq, %iota3A, %eq3A_116 : vector<16xi32>
      %mul3A_118 = arith.constant 16 : i32
      %mul3A_119 = arith.muli %scan3A_100, %mul3A_118 : i32
      %add3A_120 = arith.constant 1 : i32
      %add3A_121 = arith.addi %mul3A_119, %add3A_120 : i32
      %get3A_122 = arith.index_cast %add3A_121 : i32 to index
      %get3A_123 = memref.load %arg10[%get3A_122] : memref<256xi32, #tpu.memory_space<smem>>
      %broadcast_in_dim3A_124 = vector.broadcast %get3A_123 : i32 to vector<16xi32>
      %select_n3A_125 = arith.select %eq3A_117, %broadcast_in_dim3A_124, %select_n3A_114 : vector<16xi1>, vector<16xi32>
      %eq3A_126 = arith.constant 2 : i32
      %eq3A_127 = vector.broadcast %eq3A_126 : i32 to vector<16xi32>
      %eq3A_128 = arith.cmpi eq, %iota3A, %eq3A_127 : vector<16xi32>
      %mul3A_129 = arith.constant 16 : i32
      %mul3A_130 = arith.muli %scan3A_100, %mul3A_129 : i32
      %add3A_131 = arith.constant 2 : i32
      %add3A_132 = arith.addi %mul3A_130, %add3A_131 : i32
      %get3A_133 = arith.index_cast %add3A_132 : i32 to index
      %get3A_134 = memref.load %arg10[%get3A_133] : memref<256xi32, #tpu.memory_space<smem>>
      %broadcast_in_dim3A_135 = vector.broadcast %get3A_134 : i32 to vector<16xi32>
      %select_n3A_136 = arith.select %eq3A_128, %broadcast_in_dim3A_135, %select_n3A_125 : vector<16xi1>, vector<16xi32>
      %eq3A_137 = arith.constant 3 : i32
      %eq3A_138 = vector.broadcast %eq3A_137 : i32 to vector<16xi32>
      %eq3A_139 = arith.cmpi eq, %iota3A, %eq3A_138 : vector<16xi32>
      %mul3A_140 = arith.constant 16 : i32
      %mul3A_141 = arith.muli %scan3A_100, %mul3A_140 : i32
      %add3A_142 = arith.constant 3 : i32
      %add3A_143 = arith.addi %mul3A_141, %add3A_142 : i32
      %get3A_144 = arith.index_cast %add3A_143 : i32 to index
      %get3A_145 = memref.load %arg10[%get3A_144] : memref<256xi32, #tpu.memory_space<smem>>
      %broadcast_in_dim3A_146 = vector.broadcast %get3A_145 : i32 to vector<16xi32>
      %select_n3A_147 = arith.select %eq3A_139, %broadcast_in_dim3A_146, %select_n3A_136 : vector<16xi1>, vector<16xi32>
      %eq3A_148 = arith.constant 4 : i32
      %eq3A_149 = vector.broadcast %eq3A_148 : i32 to vector<16xi32>
      %eq3A_150 = arith.cmpi eq, %iota3A, %eq3A_149 : vector<16xi32>
      %mul3A_151 = arith.constant 16 : i32
      %mul3A_152 = arith.muli %scan3A_100, %mul3A_151 : i32
      %add3A_153 = arith.constant 4 : i32
      %add3A_154 = arith.addi %mul3A_152, %add3A_153 : i32
      %get3A_155 = arith.index_cast %add3A_154 : i32 to index
      %get3A_156 = memref.load %arg10[%get3A_155] : memref<256xi32, #tpu.memory_space<smem>>
      %broadcast_in_dim3A_157 = vector.broadcast %get3A_156 : i32 to vector<16xi32>
      %select_n3A_158 = arith.select %eq3A_150, %broadcast_in_dim3A_157, %select_n3A_147 : vector<16xi1>, vector<16xi32>
      %eq3A_159 = arith.constant 5 : i32
      %eq3A_160 = vector.broadcast %eq3A_159 : i32 to vector<16xi32>
      %eq3A_161 = arith.cmpi eq, %iota3A, %eq3A_160 : vector<16xi32>
      %mul3A_162 = arith.constant 16 : i32
      %mul3A_163 = arith.muli %scan3A_100, %mul3A_162 : i32
      %add3A_164 = arith.constant 5 : i32
      %add3A_165 = arith.addi %mul3A_163, %add3A_164 : i32
      %get3A_166 = arith.index_cast %add3A_165 : i32 to index
      %get3A_167 = memref.load %arg10[%get3A_166] : memref<256xi32, #tpu.memory_space<smem>>
      %broadcast_in_dim3A_168 = vector.broadcast %get3A_167 : i32 to vector<16xi32>
      %select_n3A_169 = arith.select %eq3A_161, %broadcast_in_dim3A_168, %select_n3A_158 : vector<16xi1>, vector<16xi32>
      %eq3A_170 = arith.constant 6 : i32
      %eq3A_171 = vector.broadcast %eq3A_170 : i32 to vector<16xi32>
      %eq3A_172 = arith.cmpi eq, %iota3A, %eq3A_171 : vector<16xi32>
      %mul3A_173 = arith.constant 16 : i32
      %mul3A_174 = arith.muli %scan3A_100, %mul3A_173 : i32
      %add3A_175 = arith.constant 6 : i32
      %add3A_176 = arith.addi %mul3A_174, %add3A_175 : i32
      %get3A_177 = arith.index_cast %add3A_176 : i32 to index
      %get3A_178 = memref.load %arg10[%get3A_177] : memref<256xi32, #tpu.memory_space<smem>>
      %broadcast_in_dim3A_179 = vector.broadcast %get3A_178 : i32 to vector<16xi32>
      %select_n3A_180 = arith.select %eq3A_172, %broadcast_in_dim3A_179, %select_n3A_169 : vector<16xi1>, vector<16xi32>
      %eq3A_181 = arith.constant 7 : i32
      %eq3A_182 = vector.broadcast %eq3A_181 : i32 to vector<16xi32>
      %eq3A_183 = arith.cmpi eq, %iota3A, %eq3A_182 : vector<16xi32>
      %mul3A_184 = arith.constant 16 : i32
      %mul3A_185 = arith.muli %scan3A_100, %mul3A_184 : i32
      %add3A_186 = arith.constant 7 : i32
      %add3A_187 = arith.addi %mul3A_185, %add3A_186 : i32
      %get3A_188 = arith.index_cast %add3A_187 : i32 to index
      %get3A_189 = memref.load %arg10[%get3A_188] : memref<256xi32, #tpu.memory_space<smem>>
      %broadcast_in_dim3A_190 = vector.broadcast %get3A_189 : i32 to vector<16xi32>
      %select_n3A_191 = arith.select %eq3A_183, %broadcast_in_dim3A_190, %select_n3A_180 : vector<16xi1>, vector<16xi32>
      %eq3A_192 = arith.constant 8 : i32
      %eq3A_193 = vector.broadcast %eq3A_192 : i32 to vector<16xi32>
      %eq3A_194 = arith.cmpi eq, %iota3A, %eq3A_193 : vector<16xi32>
      %mul3A_195 = arith.constant 16 : i32
      %mul3A_196 = arith.muli %scan3A_100, %mul3A_195 : i32
      %add3A_197 = arith.constant 8 : i32
      %add3A_198 = arith.addi %mul3A_196, %add3A_197 : i32
      %get3A_199 = arith.index_cast %add3A_198 : i32 to index
      %get3A_200 = memref.load %arg10[%get3A_199] : memref<256xi32, #tpu.memory_space<smem>>
      %broadcast_in_dim3A_201 = vector.broadcast %get3A_200 : i32 to vector<16xi32>
      %select_n3A_202 = arith.select %eq3A_194, %broadcast_in_dim3A_201, %select_n3A_191 : vector<16xi1>, vector<16xi32>
      %eq3A_203 = arith.constant 9 : i32
      %eq3A_204 = vector.broadcast %eq3A_203 : i32 to vector<16xi32>
      %eq3A_205 = arith.cmpi eq, %iota3A, %eq3A_204 : vector<16xi32>
      %mul3A_206 = arith.constant 16 : i32
      %mul3A_207 = arith.muli %scan3A_100, %mul3A_206 : i32
      %add3A_208 = arith.constant 9 : i32
      %add3A_209 = arith.addi %mul3A_207, %add3A_208 : i32
      %get3A_210 = arith.index_cast %add3A_209 : i32 to index
      %get3A_211 = memref.load %arg10[%get3A_210] : memref<256xi32, #tpu.memory_space<smem>>
      %broadcast_in_dim3A_212 = vector.broadcast %get3A_211 : i32 to vector<16xi32>
      %select_n3A_213 = arith.select %eq3A_205, %broadcast_in_dim3A_212, %select_n3A_202 : vector<16xi1>, vector<16xi32>
      %eq3A_214 = arith.constant 10 : i32
      %eq3A_215 = vector.broadcast %eq3A_214 : i32 to vector<16xi32>
      %eq3A_216 = arith.cmpi eq, %iota3A, %eq3A_215 : vector<16xi32>
      %mul3A_217 = arith.constant 16 : i32
      %mul3A_218 = arith.muli %scan3A_100, %mul3A_217 : i32
      %add3A_219 = arith.constant 10 : i32
      %add3A_220 = arith.addi %mul3A_218, %add3A_219 : i32
      %get3A_221 = arith.index_cast %add3A_220 : i32 to index
      %get3A_222 = memref.load %arg10[%get3A_221] : memref<256xi32, #tpu.memory_space<smem>>
      %broadcast_in_dim3A_223 = vector.broadcast %get3A_222 : i32 to vector<16xi32>
      %select_n3A_224 = arith.select %eq3A_216, %broadcast_in_dim3A_223, %select_n3A_213 : vector<16xi1>, vector<16xi32>
      %eq3A_225 = arith.constant 11 : i32
      %eq3A_226 = vector.broadcast %eq3A_225 : i32 to vector<16xi32>
      %eq3A_227 = arith.cmpi eq, %iota3A, %eq3A_226 : vector<16xi32>
      %mul3A_228 = arith.constant 16 : i32
      %mul3A_229 = arith.muli %scan3A_100, %mul3A_228 : i32
      %add3A_230 = arith.constant 11 : i32
      %add3A_231 = arith.addi %mul3A_229, %add3A_230 : i32
      %get3A_232 = arith.index_cast %add3A_231 : i32 to index
      %get3A_233 = memref.load %arg10[%get3A_232] : memref<256xi32, #tpu.memory_space<smem>>
      %broadcast_in_dim3A_234 = vector.broadcast %get3A_233 : i32 to vector<16xi32>
      %select_n3A_235 = arith.select %eq3A_227, %broadcast_in_dim3A_234, %select_n3A_224 : vector<16xi1>, vector<16xi32>
      %eq3A_236 = arith.constant 12 : i32
      %eq3A_237 = vector.broadcast %eq3A_236 : i32 to vector<16xi32>
      %eq3A_238 = arith.cmpi eq, %iota3A, %eq3A_237 : vector<16xi32>
      %mul3A_239 = arith.constant 16 : i32
      %mul3A_240 = arith.muli %scan3A_100, %mul3A_239 : i32
      %add3A_241 = arith.constant 12 : i32
      %add3A_242 = arith.addi %mul3A_240, %add3A_241 : i32
      %get3A_243 = arith.index_cast %add3A_242 : i32 to index
      %get3A_244 = memref.load %arg10[%get3A_243] : memref<256xi32, #tpu.memory_space<smem>>
      %broadcast_in_dim3A_245 = vector.broadcast %get3A_244 : i32 to vector<16xi32>
      %select_n3A_246 = arith.select %eq3A_238, %broadcast_in_dim3A_245, %select_n3A_235 : vector<16xi1>, vector<16xi32>
      %eq3A_247 = arith.constant 13 : i32
      %eq3A_248 = vector.broadcast %eq3A_247 : i32 to vector<16xi32>
      %eq3A_249 = arith.cmpi eq, %iota3A, %eq3A_248 : vector<16xi32>
      %mul3A_250 = arith.constant 16 : i32
      %mul3A_251 = arith.muli %scan3A_100, %mul3A_250 : i32
      %add3A_252 = arith.constant 13 : i32
      %add3A_253 = arith.addi %mul3A_251, %add3A_252 : i32
      %get3A_254 = arith.index_cast %add3A_253 : i32 to index
      %get3A_255 = memref.load %arg10[%get3A_254] : memref<256xi32, #tpu.memory_space<smem>>
      %broadcast_in_dim3A_256 = vector.broadcast %get3A_255 : i32 to vector<16xi32>
      %select_n3A_257 = arith.select %eq3A_249, %broadcast_in_dim3A_256, %select_n3A_246 : vector<16xi1>, vector<16xi32>
      %eq3A_258 = arith.constant 14 : i32
      %eq3A_259 = vector.broadcast %eq3A_258 : i32 to vector<16xi32>
      %eq3A_260 = arith.cmpi eq, %iota3A, %eq3A_259 : vector<16xi32>
      %mul3A_261 = arith.constant 16 : i32
      %mul3A_262 = arith.muli %scan3A_100, %mul3A_261 : i32
      %add3A_263 = arith.constant 14 : i32
      %add3A_264 = arith.addi %mul3A_262, %add3A_263 : i32
      %get3A_265 = arith.index_cast %add3A_264 : i32 to index
      %get3A_266 = memref.load %arg10[%get3A_265] : memref<256xi32, #tpu.memory_space<smem>>
      %broadcast_in_dim3A_267 = vector.broadcast %get3A_266 : i32 to vector<16xi32>
      %select_n3A_268 = arith.select %eq3A_260, %broadcast_in_dim3A_267, %select_n3A_257 : vector<16xi1>, vector<16xi32>
      %eq3A_269 = arith.constant 15 : i32
      %eq3A_270 = vector.broadcast %eq3A_269 : i32 to vector<16xi32>
      %eq3A_271 = arith.cmpi eq, %iota3A, %eq3A_270 : vector<16xi32>
      %mul3A_272 = arith.constant 16 : i32
      %mul3A_273 = arith.muli %scan3A_100, %mul3A_272 : i32
      %add3A_274 = arith.constant 15 : i32
      %add3A_275 = arith.addi %mul3A_273, %add3A_274 : i32
      %get3A_276 = arith.index_cast %add3A_275 : i32 to index
      %get3A_277 = memref.load %arg10[%get3A_276] : memref<256xi32, #tpu.memory_space<smem>>
      %broadcast_in_dim3A_278 = vector.broadcast %get3A_277 : i32 to vector<16xi32>
      %select_n3A_279 = arith.select %eq3A_271, %broadcast_in_dim3A_278, %select_n3A_268 : vector<16xi1>, vector<16xi32>
      %mul3A_280 = arith.constant 16 : i32
      %mul3A_281 = arith.muli %scan3A_100, %mul3A_280 : i32
      %swap3A = arith.index_cast %mul3A_281 : i32 to index
      %swap3A_282 = tpu.vector_load %arg13[%swap3A] {strides = array<i32>} : memref<256xi32, #tpu.memory_space<vmem>>, vector<16xi32>,
      %swap3A_283 = vector.shape_cast %swap3A_282 : vector<16xi32> to vector<16xi32>
      %swap3A_284 = vector.shape_cast %select_n3A_279 : vector<16xi32> to vector<16xi32>
      tpu.vector_store %arg13[%swap3A], %swap3A_284 {strides = array<i32>} : memref<256xi32, #tpu.memory_space<vmem>>, vector<16xi32>,
      %scan3A_285 = arith.constant 0 : i32
      scf.yield %scan3A_285 : i32
    }
    %scan3A_94 = arith.constant 16 : i32
    "tpu.region"() ({
      %run_scoped3A = tpu.sem_alloc : memref<!tpu.dma_semaphore, #tpu.memory_space<semaphore_mem>>
      %dma_start3A_100 = arith.constant 0 : i32
      %dma_start3A_101 = tpu.memref_slice %arg5[%add3A, %dma_start3A_100] : memref<32x256xi32, #tpu.memory_space<hbm>> -> memref<1x256xi32, #tpu.memory_space<hbm>>
      %dma_start3A_102 = tpu.memref_squeeze %dma_start3A_101 : memref<1x256xi32, #tpu.memory_space<hbm>> -> memref<256xi32, #tpu.memory_space<hbm>>
      %dma_start3A_103 = arith.constant 0 : i32
      %dma_start3A_104 = tpu.memref_slice %arg5[%add3A, %dma_start3A_103] : memref<32x256xi32, #tpu.memory_space<hbm>> -> memref<1x256xi32, #tpu.memory_space<hbm>>
      %dma_start3A_105 = tpu.memref_squeeze %dma_start3A_104 : memref<1x256xi32, #tpu.memory_space<hbm>> -> memref<256xi32, #tpu.memory_space<hbm>>
      tpu.enqueue_dma source(%arg13 : memref<256xi32, #tpu.memory_space<vmem>>) target(%dma_start3A_105 : memref<256xi32, #tpu.memory_space<hbm>>) target_semaphore(%run_scoped3A : memref<!tpu.dma_semaphore, #tpu.memory_space<semaphore_mem>>)
      %dma_wait3A = arith.constant 0 : i32
      %dma_wait3A_106 = tpu.memref_slice %arg5[%add3A, %dma_wait3A] : memref<32x256xi32, #tpu.memory_space<hbm>> -> memref<1x256xi32, #tpu.memory_space<hbm>>
      %dma_wait3A_107 = tpu.memref_squeeze %dma_wait3A_106 : memref<1x256xi32, #tpu.memory_space<hbm>> -> memref<256xi32, #tpu.memory_space<hbm>>
      %dma_wait3A_108 = arith.constant 0 : i32
      %dma_wait3A_109 = tpu.memref_slice %arg5[%add3A, %dma_wait3A_108] : memref<32x256xi32, #tpu.memory_space<hbm>> -> memref<1x256xi32, #tpu.memory_space<hbm>>
      %dma_wait3A_110 = tpu.memref_squeeze %dma_wait3A_109 : memref<1x256xi32, #tpu.memory_space<hbm>> -> memref<256xi32, #tpu.memory_space<hbm>>
      tpu.wait_dma2 semaphore(%run_scoped3A : memref<!tpu.dma_semaphore, #tpu.memory_space<semaphore_mem>>) src(%arg13 : memref<256xi32, #tpu.memory_space<vmem>>) dst(%dma_wait3A_110 : memref<256xi32, #tpu.memory_space<hbm>>)
      tpu.yield
    }) : () -> ()
    %barrier3A_95 = arith.constant 0 : index
    tpu.barrier barrier_id(%barrier3A_95)
    %mul3A_96 = arith.constant 16 : i32
    %mul3A_97 = arith.muli %arg1, %mul3A_96 : i32
    %mul3A_98 = arith.constant 16 : i32
    %mul3A_99 = arith.muli %arg1, %mul3A_98 : i32
    "tpu.region"() ({
      %run_scoped3A = tpu.sem_alloc : memref<!tpu.dma_semaphore, #tpu.memory_space<semaphore_mem>>
      %dma_start3A_100 = arith.constant 0 : i32
      %dma_start3A_101 = tpu.memref_slice %arg4[%arg0, %mul3A_99, %dma_start3A_100] : memref<2x256x128xf32, #tpu.memory_space<hbm>> -> memref<1x16x128xf32, #tpu.memory_space<hbm>>
      %dma_start3A_102 = tpu.memref_squeeze %dma_start3A_101 : memref<1x16x128xf32, #tpu.memory_space<hbm>> -> memref<16x128xf32, #tpu.memory_space<hbm>>
      %dma_start3A_103 = arith.constant 0 : i32
      %dma_start3A_104 = tpu.memref_slice %arg14[%mul3A_97, %dma_start3A_103] : memref<256x128xf32, #tpu.memory_space<vmem_shared>> -> memref<16x128xf32, #tpu.memory_space<vmem_shared>>
      tpu.enqueue_dma source(%dma_start3A_104 : memref<16x128xf32, #tpu.memory_space<vmem_shared>>) target(%dma_start3A_102 : memref<16x128xf32, #tpu.memory_space<hbm>>) target_semaphore(%run_scoped3A : memref<!tpu.dma_semaphore, #tpu.memory_space<semaphore_mem>>)
      %dma_wait3A = arith.constant 0 : i32
      %dma_wait3A_105 = tpu.memref_slice %arg4[%arg0, %mul3A_99, %dma_wait3A] : memref<2x256x128xf32, #tpu.memory_space<hbm>> -> memref<1x16x128xf32, #tpu.memory_space<hbm>>
      %dma_wait3A_106 = tpu.memref_squeeze %dma_wait3A_105 : memref<1x16x128xf32, #tpu.memory_space<hbm>> -> memref<16x128xf32, #tpu.memory_space<hbm>>
      %dma_wait3A_107 = arith.constant 0 : i32
      %dma_wait3A_108 = tpu.memref_slice %arg14[%mul3A_97, %dma_wait3A_107] : memref<256x128xf32, #tpu.memory_space<vmem_shared>> -> memref<16x128xf32, #tpu.memory_space<vmem_shared>>
      tpu.wait_dma2 semaphore(%run_scoped3A : memref<!tpu.dma_semaphore, #tpu.memory_space<semaphore_mem>>) src(%dma_wait3A_108 : memref<16x128xf32, #tpu.memory_space<vmem_shared>>) dst(%dma_wait3A_106 : memref<16x128xf32, #tpu.memory_space<hbm>>)
      tpu.yield
    }) : () -> ()
    return
  }
}

module attributes {stable_mosaic.version = 14 : i64} {
  func.func @_finish_body(%arg0: memref<2x256x128xf32, #tpu.memory_space<vmem>>, %arg1: memref<32x256xi32, #tpu.memory_space<vmem>>, %arg2: memref<10x128xf32, #tpu.memory_space<vmem>>, %arg3: memref<1x10xf32, #tpu.memory_space<vmem>>, %arg4: memref<256x10xf32, #tpu.memory_space<vmem>>) attributes {dimension_semantics = [], scalar_prefetch = 0 : i64, scratch_operands = 0 : i64, tpu.core_type = #tpu.core_type<tc>} {
    %get3A = arith.constant 0 : index
    %get3A_0 = arith.constant 0 : index
    %get3A_1 = arith.constant 0 : index
    %get3A_2 = vector.load %arg0[%get3A, %get3A_0, %get3A_1] : memref<2x256x128xf32, #tpu.memory_space<vmem>>, vector<1x256x128xf32>
    %get3A_3 = vector.shape_cast %get3A_2 : vector<1x256x128xf32> to vector<256x128xf32>
    %get3A_4 = arith.constant 1 : index
    %get3A_5 = arith.constant 0 : index
    %get3A_6 = arith.constant 0 : index
    %get3A_7 = vector.load %arg0[%get3A_4, %get3A_5, %get3A_6] : memref<2x256x128xf32, #tpu.memory_space<vmem>>, vector<1x256x128xf32>
    %get3A_8 = vector.shape_cast %get3A_7 : vector<1x256x128xf32> to vector<256x128xf32>
    %add3A = arith.addf %get3A_3, %get3A_8 : vector<256x128xf32>
    %get3A_9 = arith.constant 0 : index
    %get3A_10 = arith.constant 0 : index
    %get3A_11 = vector.load %arg1[%get3A_9, %get3A_10] : memref<32x256xi32, #tpu.memory_space<vmem>>, vector<32x256xi32>
    %reduce_sum3A = arith.constant dense<0> : vector<256xi32>
    %reduce_sum3A_12 = vector.multi_reduction <add>, %get3A_11, %reduce_sum3A [0] : vector<32x256xi32> to vector<256xi32>
    %convert_element_type3A = arith.sitofp %reduce_sum3A_12 : vector<256xi32> to vector<256xf32>
    %broadcast_in_dim3A = vector.shape_cast %convert_element_type3A : vector<256xf32> to vector<256x1xf32>
    %max3A = arith.constant 1.000000e+00 : f32
    %max3A_13 = vector.broadcast %max3A : f32 to vector<256x1xf32>
    %max3A_14 = arith.maximumf %broadcast_in_dim3A, %max3A_13 : vector<256x1xf32>
    %div3A = vector.broadcast %max3A_14 : vector<256x1xf32> to vector<256x128xf32>
    %div3A_15 = arith.divf %add3A, %div3A : vector<256x128xf32>
    %get3A_16 = arith.constant 0 : index
    %get3A_17 = arith.constant 0 : index
    %get3A_18 = vector.load %arg2[%get3A_16, %get3A_17] : memref<10x128xf32, #tpu.memory_space<vmem>>, vector<10x128xf32>
    %dot_general3A = arith.constant dense<0.000000e+00> : vector<256x10xf32>
    %dot_general3A_19 = tpu.matmul %div3A_15, %get3A_18, %dot_general3A {dimension_numbers = #tpu.dot_dimension_numbers<[1], [1], [0], [0], [0, 0, 1, 0], [], []>, transpose_lhs_hint = false} : vector<256x128xf32>, vector<10x128xf32>, vector<256x10xf32> -> vector<256x10xf32>
    %get3A_20 = arith.constant 0 : index
    %get3A_21 = arith.constant 0 : index
    %get3A_22 = vector.load %arg3[%get3A_20, %get3A_21] : memref<1x10xf32, #tpu.memory_space<vmem>>, vector<1x10xf32>
    %add3A_23 = vector.broadcast %get3A_22 : vector<1x10xf32> to vector<256x10xf32>
    %add3A_24 = arith.addf %dot_general3A_19, %add3A_23 : vector<256x10xf32>
    %swap3A = arith.constant 0 : index
    %swap3A_25 = arith.constant 0 : index
    %swap3A_26 = vector.load %arg4[%swap3A, %swap3A_25] : memref<256x10xf32, #tpu.memory_space<vmem>>, vector<256x10xf32>
    tpu.vector_store %arg4[%swap3A, %swap3A_25], %add3A_24 {strides = array<i32>} : memref<256x10xf32, #tpu.memory_space<vmem>>, vector<256x10xf32>,
    return
  }
}

</mosaic_0001>

<sc_bundles>
// kernel: kernel.4.cloned.1.call-start
scs
__scs_entry_jumppad:
0x0: {  	(pc) =	sbr.rel $0x88, $3  }
0x1: {  	(tag) =	ssettag $0x0;
	lr =	simm.s32 $0x1  }
0x2: {  	[smem:$0x3F9D] =	sst lr;
	_ =	strace $0xD0000000  }
0x3: {  	_ = 	snop  }
0x4: {  	_ = 	snop  }
0x5: {  	_ = 	snop  }
0x6: {  	_ = 	snop  }
0x7: {  	_ = 	snop  }
__scs_overlays_trampoline_lowered:
0x8: {  	[smem:$0x3FAC] =	sst s0  }
0x9: {  	[smem:$0x3FAD] =	sst s1  }
0xa: {  	[smem:$0x3FAE] =	sst s2  }
0xb: {  	[smem:$0x3FAF] =	sst s3  }
0xc: {  	[smem:$0x3FB0] =	sst s4  }
0xd: {  	[smem:$0x3FB1] =	sst s5  }
0xe: {  	[smem:$0x3FB2] =	sst s6  }
0xf: {  	[smem:$0x3FB3] =	sst s7  }
0x10: {  	[smem:$0x3FB4] =	sst s8  }
0x11: {  	[smem:$0x3FB5] =	sst s9;
	s0 =	simm.s32 @!p0 $0x0  }
0x12: {  	s1 =	sld [smem:$0x3F9B];
	s0 =	simm.s32 @p0 $0x1  }
0x13: {  	[smem:$0x3FB6] =	sst s0;
	s0 =	simm.s32 @!p1 $0x0  }
0x14: {  	s2 =	sld [smem:$0x3F9A];
	s0 =	simm.s32 @p1 $0x1  }
0x15: {  	[smem:$0x3FB7] =	sst s0;
	s0 =	simm.s32 @!p2 $0x0  }
0x16: {  	s3 =	sld [smem:$0x3FDB];
	s0 =	simm.s32 @p2 $0x1  }
0x17: {  	s4 =	simm.s32 $0x1BF5;
	[smem:$0x3FB9] =	sst s0  }
0x18: {  	s0 =	sld [smem:$0x3F9C];
	_ =	swait.ge [sflag:s4], $0x0  }
0x19: {  	s7 =	sld [smem:$0x3F9D]  }
0x1a: {  	s8 =	sadd.s32 $0xFFFFE003, lr  }
0x1b: {  	s9 =	sadd.s32 $0xFFFFFEF7, lr;
	s5 =	simm.s32 $0xFFFFFFFF;
	p2 =	slt.u32 s8, $0xFFFFF086  }
0x1c: {  	p1 =	slt.u32 s9, $0xF7A;
	s5 =	simm.s32 @!p2 $0x0  }
0x1d: {  	s5 =	simm.s32 @p1 $0x1;
	p0 =	seq.s32 s7, s2  }
0x1e: {  	s7 =	smul.u32 @!p0 $0xF7A, s2;
	p2 =	seq.s32 @!p0 s5, $0x0  }
0x1f: {  	s9 =	smul.u32 $0xF7A, s1;
	s8 =	simm.s32 @!p0 $0x1BF5;
	p2 =	por !p2, p0  }
0x20: {  	[sflag:s8] =	ssyncset.s32 @!p0 $0xFFFFF086;
	s6 =	sadd.s32 @!p0 s3, s7;
	s7 =	simm.s32 @!p0 $0x108  }
0x21: {  	s3 =	sadd.s32 s3, s9;
	s6 =	sadd.s32 @!p0 $0x88, s6;
	s7 =	simm.s32 @p2 $0x1082  }
0x22: {  	[simem:s7], [sflag:s8] =	dma.local @!p0 [hbm:s6], $0xF7A  }
0x23: {  	s9 =	sor.u32 $0xD0000000, s2;
	s6 =	simm.s32 $0x108;
	_ =	swait.ge @!p0 [sflag:s8], $0x0  }
0x24: {  	s3 =	sadd.s32 $0x88, s3;
	s6 =	simm.s32 @!p1 $0x1082;
	[sflag:s4] =	ssyncset.s32 $0xFFFFF086  }
0x25: {  	[simem:s6], [sflag:s4] =	dma.local [hbm:s3], $0xF7A  }
0x26: {  	[smem:$0x3F9D] =	sst s1;
	(tag) =	ssettag s2;
	_ =	strace s9  }
0x27: {  	s1 =	sld [smem:$0x3FAD]  }
0x28: {  	s2 =	sld [smem:$0x3FAE]  }
0x29: {  	s4 =	sld [smem:$0x3FB0]  }
0x2a: {  	p0 =	seq.s32 s5, $0x0;
	s5 =	sld [smem:$0x3FB1]  }
0x2b: {  	s6 =	sld [smem:$0x3FB2]  }
0x2c: {  	s7 =	sld [smem:$0x3FB3]  }
0x2d: {  	s3 =	simm.s32 $0x108;
	s8 =	sld [smem:$0x3FB4]  }
0x2e: {  	s3 =	simm.s32 @!p0 $0x1082;
	s9 =	sld [smem:$0x3FB5]  }
0x2f: {  	lr =	sadd.s32 s0, s3;
	s0 =	sld [smem:$0x3FAC]  }
0x30: {  	s3 =	sld [smem:$0x3FAF]  }
0x31: {  	[smem:$0x3FB8] =	sst s10  }
0x32: {  	s10 =	sld [smem:$0x3FB6];
	_ =	sdelay $0x3  }
0x33: {  	p0 =	seq.s32 s10, $0x1;
	s10 =	sld [smem:$0x3FB8];
	_ =	sdelay $0x3  }
0x34: {  	[smem:$0x3FB8] =	sst s10  }
0x35: {  	s10 =	sld [smem:$0x3FB7];
	_ =	sdelay $0x3  }
0x36: {  	p1 =	seq.s32 s10, $0x1;
	s10 =	sld [smem:$0x3FB8];
	_ =	sdelay $0x3  }
0x37: {  	[smem:$0x3FB8] =	sst s10  }
0x38: {  	s10 =	sld [smem:$0x3FB9]  }
0x39: {  	_ = 	snop;
	(pc) =	sbr.ind lr, $3  }
0x3a: {  	_ = 	snop  }
0x3b: {  	_ = 	snop  }
0x3c: {  	p2 =	seq.s32 s10, $0x1;
	s10 =	sld [smem:$0x3FB8]  }
0x3d: {  	_ =	shalt  }
0x3e: {  	_ =	shalt  }
0x3f: {  	_ =	shalt  }
0x40: {  	_ =	shalt  }
0x41: {  	_ =	shalt  }
0x42: {  	_ =	shalt  }
0x43: {  	_ =	shalt  }
0x44: {  	_ =	shalt  }
0x45: {  	_ =	shalt  }
0x46: {  	_ =	shalt  }
0x47: {  	_ =	shalt  }
0x48: {  	_ =	shalt  }
0x49: {  	_ =	shalt  }
0x4a: {  	_ =	shalt  }
0x4b: {  	_ =	shalt  }
0x4c: {  	_ =	shalt  }
0x4d: {  	_ =	shalt  }
0x4e: {  	_ =	shalt  }
0x4f: {  	_ =	shalt  }
0x50: {  	_ =	shalt  }
0x51: {  	_ =	shalt  }
0x52: {  	_ =	shalt  }
0x53: {  	_ =	shalt  }
0x54: {  	_ =	shalt  }
0x55: {  	_ =	shalt  }
0x56: {  	_ =	shalt  }
0x57: {  	_ =	shalt  }
0x58: {  	_ =	shalt  }
0x59: {  	_ =	shalt  }
0x5a: {  	_ =	shalt  }
0x5b: {  	_ =	shalt  }
0x5c: {  	_ =	shalt  }
0x5d: {  	_ =	shalt  }
0x5e: {  	_ =	shalt  }
0x5f: {  	_ =	shalt  }
0x60: {  	_ =	shalt  }
0x61: {  	_ =	shalt  }
0x62: {  	_ =	shalt  }
0x63: {  	_ =	shalt  }
0x64: {  	_ =	shalt  }
0x65: {  	_ =	shalt  }
0x66: {  	_ =	shalt  }
0x67: {  	_ =	shalt  }
0x68: {  	_ =	shalt  }
0x69: {  	_ =	shalt  }
0x6a: {  	_ =	shalt  }
0x6b: {  	_ =	shalt  }
0x6c: {  	_ =	shalt  }
0x6d: {  	_ =	shalt  }
0x6e: {  	_ =	shalt  }
0x6f: {  	_ =	shalt  }
0x70: {  	_ =	shalt  }
0x71: {  	_ =	shalt  }
0x72: {  	_ =	shalt  }
0x73: {  	_ =	shalt  }
0x74: {  	_ =	shalt  }
0x75: {  	_ =	shalt  }
0x76: {  	_ =	shalt  }
0x77: {  	_ =	shalt  }
0x78: {  	_ =	shalt  }
0x79: {  	_ =	shalt  }
0x7a: {  	_ =	shalt  }
0x7b: {  	_ =	shalt  }
0x7c: {  	_ =	shalt  }
0x7d: {  	_ =	shalt  }
0x7e: {  	_ =	shalt  }
0x7f: {  	_ =	shalt  }
0x80: {  	_ =	shalt  }
0x81: {  	_ =	shalt  }
0x82: {  	_ =	shalt  }
0x83: {  	_ =	shalt  }
0x84: {  	_ =	shalt  }
0x85: {  	_ =	shalt  }
0x86: {  	_ =	shalt  }
0x87: {  	_ =	shalt  }
.Lfunc_end0:
.L_simem_size_0:
called_computation_lowered:
.L_overlay_start_0:
0x88: {  	s2 =	sld [smem:$0x3FD9]  }
0x89: {  	s3 =	sld [smem:$0x3FFE];
	_ =	sdelay $0x1  }
0x8a: {  	s1 =	srdreg.scid  }
0x8b: {  	s0 =	sand.u32 $0x1, s1  }
0x8c: {  	s17 =	sshll.u32 s0, $0xA;
	s2 =	sadd.s32 s3, s2  }
0x8d: {  	s2 =	sadd.s32 s2, s17  }
0x8e: {  	[smem:$0x3FC4] =	sst s2  }
0x8f: {  	_ = 	snop  }
0x90: {  	s2 =	sld [smem:$0x3FC9]  }
0x91: {  	s18 =	sld [smem:$0x3FC8];
	(tm) =	ssettm $0x1  }
0x92: {  	s4 =	sld [smem:$0x3FFB];
	_ =	sdelay $0x3  }
0x93: {  	_ =	strace s4  }
0x94: {  	s4 =	sld [smem:$0x3FFC];
	_ =	sdelay $0x3  }
0x95: {  	_ =	strace s4  }
0x96: {  	s4 =	sld [smem:$0x3FFD];
	_ =	sdelay $0x3  }
0x97: {  	_ =	strace s4  }
0x98: {  	_ =	strace $0x8FFFFFFF  }
0x99: {  	s19 =	sld [smem:$0x3FDB];
	_ =	sdelay $0x1  }
0x9a: {  	s5 =	simm.s32 $_scs_section_size  }
0x9b: {  	s6 =	simm.s32 $_size__tile_overlayer_lowered;
	s7 =	simm.s32 $_tile_overlayer_lowered  }
0x9c: {  	s22 =	simm.s32 $0x1BFF;
	s21 =	sshll.u32 s7, $0x1;
	s4 =	sadd.s32 s5, s19  }
0x9d: {  	s8 =	simm.s32 $0x0;
	s20 =	sshll.u32 s6, $0x1;
	s6 =	sadd.s32 s21, s4  }
0x9e: {  	[timem:s8], [sflag:s22] =	dma.local [hbm:s6], s20  }
0x9f: {  	_ =	swait.ge [sflag:s22], s20  }
0xa0: {  	s5 =	ssub.s32 $0x0, s20;
	[sflag:s22] =	ssyncset.done $0x0  }
0xa1: {  	[sflag:s22] =	ssyncadd.s32 s5;
	_ =	sdelay $0x1  }
0xa2: {  	s23 =	simm.s32 $0x1B8B  }
0xa3: {  	_ =	swait.ge [sflag:s23], $0x1  }
0xa4: {  	[sflag:s23] =	ssyncset.done $0x0  }
0xa5: {  	s25 =	simm.s32 $0x1B8E;
	s24 =	sld [smem:$0x3FFE];
	[sflag:s23] =	ssyncadd.s32 $0xFFFFFFFF  }
0xa6: {  	s26 =	simm.s32 $execute0_lowered;
	[smem:$0x3FD2] =	sst s25  }
0xa7: {  	s6 =	sshll.u32 s26, $0x1;
	_ =	strace $0x80000046;
	[dreg:$0x1] =	wrdreg $0xFFFFFFFF  }
0xa8: {  	s28 =	simm.s32 $_size_execute0_lowered;
	s4 =	sadd.s32 s4, s6;
	[dreg:$0x0] =	wrdreg $0x0  }
0xa9: {  	s6 =	sshll.u32 s28, $0x1;
	[dreg:$0x2] =	wrdreg s4  }
0xaa: {  	[dreg:$0x3] =	wrdreg s6  }
0xab: {  	[dreg:$0x4] =	wrdreg $0xC0  }
0xac: {  	_ =	task [dreg:s8], $0x5FFFF  }
0xad: {  	[dreg:$0x1] =	wrdreg $0xFFFFFFFF  }
0xae: {  	[dreg:$0x0] =	wrdreg $0x60  }
0xaf: {  	[dreg:$0x2] =	wrdreg s2  }
0xb0: {  	[dreg:$0x3] =	wrdreg s18  }
0xb1: {  	[dreg:$0x4] =	wrdreg s24  }
0xb2: {  	[dreg:$0x5] =	wrdreg $0x96000  }
0xb3: {  	[dreg:$0x6] =	wrdreg $0x9E000  }
0xb4: {  	[dreg:$0x7] =	wrdreg $0x9  }
0xb5: {  	_ =	task.clear_ibuf [dreg:s8], $0x8FFFF;
	_ =	strace $0x90000046  }
0xb6: {  	s29 =	simm.s32 $0x9;
	_ =	strace $0x80000048  }
0xb7: {  	_ =	swait.ge [sflag:s29], $0x1  }
0xb8: {  	[sflag:s29] =	ssyncadd.s32 $0xFFFFFFFF  }
0xb9: {  	_ =	strace $0x90000048  }
0xba: {  	_ =	sfence  }
0xbb: {  	s30 =	sld [smem:$0x0];
	_ =	sdelay $0x2  }
0xbc: {  	s31 =	sshll.u32 s1, $0xD;
	s1 =	sshrl.u32 s1, $0x2  }
0xbd: {  	s3 =	sand.u32 $0x4000, s31;
	s1 =	sadd.s32 s1, s30  }
0xbe: {  	s0 =	sor.u32 s3, s0;
	s1 =	sshll.u32 s1, $0x11  }
0xbf: {  	s0 =	sor.u32 s1, s0  }
0xc0: {  	s0 =	sadd.s32 $0x8F2B, s0  }
0xc1: {  	[sflag:s0] =	ssyncadd.remote.s32 $0x1  }
0xc2: {  	_ =	sfence.sel $0xFFFF  }
0xc3: {  	[dreg:$0x0] =	wrdreg $0xFFFFFFFF;
	(pc) =	sbr.abs _section_cstart, $3  }
0xc4: {  	[dreg:$0x1] =	wrdreg $0xFFFFFFFF  }
0xc5: {  	_ =	task.clear_ibuf [dreg:s8], $0x2FFFF;
	_ =	strace $0x9FFFFFFF  }
0xc6: {  	(tm) =	ssettm $0x7FFFFFFF  }
0xc7: {  	_ =	shalt  }
tec
execute0_lowered:
.L_overlay_start_1:
0x0: {  	(tag) =	ssettag $0x1  }
0x1: {  	s0 =	rddreg [dreg:$0x0]  }
0x2: {  	s7 =	rddreg [dreg:$0x1]  }
0x3: {  	s4 =	rddreg [dreg:$0x2]  }
0x4: {  	s1 =	rddreg [dreg:$0x3]  }
0x5: {  	s10 =	rddreg [dreg:$0x4];
	s2 =	srdreg.scid;
	s3 =	simm.s32 $0x0  }
0x6: {  	s19 =	simm.s32 $0x180;
	s20 =	simm.s32 $0x1;
	s21 =	simm.s32 $0x8000  }
0x7: {  	s22 =	simm.s32 $0x3;
	s23 =	simm.s32 $0x80;
	s12 =	sand.u32 $0x1, s2  }
0x8: {  	s2 =	stileid.u32;
	[smem:$0x7FF] =	sst s3;
	s5 =	sshll.u32 s12, $0x4  }
0x9: {  	_ =	strace $0x80000047;
	s24 =	sshll.u32 s2, $0x4;
	s8 =	sshll.u32 s2, $0x8  }
0xa: {  	s25 =	ssub.s32 $0x2, s12;
	s28 =	sshll.u32 s2, $0xB;
	s11 =	sor.u32 s2, s5  }
0xb: {  	s12 =	sshll.u32 s12, $0xC;
	s5 =	sand.u32 $0x70, s24;
	s6 =	smul.u32 $0xC38, s11  }
0xc: {  	s13 =	sadd.s32 s8, s4;
	s26 =	sshrl.u32 s25, $0x1;
	s9 =	smul.u32 $0xC30, s11  }
0xd: {  	s14 =	sadd.s32 s5, s4;
	p0 =	sgt.u32 s11, $0x13;
	s16 =	ssub.s32 s25, s26  }
0xe: {  	s4 =	sadd.s32 s28, s1;
	s18 =	sshll.u32 s11, $0x5;
	s31 =	sadd.s32 s12, s13  }
0xf: {  	s26 =	simm.s32 $0x0;
	s30 =	sand.u32 $0x300, s18;
	s18 =	simm.s32 $0x2  }
0x10: {  	s8 =	sadd.s32 $0xA0, s9;
	s15 =	smov.u32 s6;
	s29 =	sshrl.u32 s6, $0x3  }
0x11: {  	v0 =	vimm.f32 $0.0e+00;
	s6 =	sadd.s32 s6, s10;
	s14 =	sadd.s32 s30, s14;
	s15 =	smov.u32 @p0 s8  }
0x12: {  	vm0 =	vcmask $0x300;
	vm1 =	vcmask $0x704;
	vm2 =	vcmask $0xB08;
	s9 =	sshrl.u32 s8, $0x3;
	s5 =	sadd.s32 s7, s29;
	s8 =	sadd.s32 s8, s10  }
0x13: {  	vm3 =	vcmask $0xF0C;
	vm4 =	vcmask $0x1310;
	vm5 =	vcmask $0x1714;
	s13 =	sadd.s32 $0x3000, s14;
	s14 =	sadd.s32 $0x1000, s31;
	s7 =	sadd.s32 s7, s9  }
0x14: {  	vm6 =	vcmask $0x1B18;
	vm7 =	vcmask $0x1F1C;
	vm8 =	vcmask $0x2320;
	s17 =	sadd.s32 $0xC00, s15;
	s9 =	sadd.s32 s15, s10;
	s15 =	sshll.u32 s15, $0x4  }
0x15: {  	vm9 =	vcmask $0x2724;
	vm10 =	vcmask $0x2B28;
	vm11 =	vcmask $0x2F2C;
	s10 =	sadd.s32 s17, s10;
	s11 =	sadd.s32 s0, s15;
	s17 =	sshll.u32 s17, $0x4  }
0x16: {  	vm12 =	vcmask $0x3330;
	vm13 =	vcmask $0x3734;
	vm14 =	vcmask $0x3B38;
	s15 =	smax.u32 s16, $0x1;
	s12 =	sadd.s32 s0, s17;
	s16 =	sadd.s32 $0x800, s11  }
.LBB2_1:
0x17: {  	s0 =	simm.s32 $0x0;
	s17 =	simm.s32 $0x0  }
.LBB2_2:
0x18: {  	p1 =	sne.s32 s17, $0x1FC0  }
.Ltmp0:
0x19: {  	_ = 	snop;
	(pc) =	sbr.rel @p1 .LBB2_2-.Ltmp0, $4  }
0x1a: {  	s28 =	sand.u32 $0x1E00, s17  }
0x1b: {  	s29 =	sand.u32 $0x70, s0;
	s28 =	sshrl.u32 s28, $0x2  }
0x1c: {  	s28 =	sor.u32 s29, s28  }
0x1d: {  	s0 =	sadd.s32 $0x10, s0;
	s17 =	sadd.s32 $0x40, s17;
	[tilespmem:s28+$0x8D00] =	vst v0  }
0x1e: {  	s0 =	simm.s32 $0x4;
	s17 =	simm.s32 $0x0  }
.LBB2_4:
0x1f: {  	p1 =	sne.s32 s0, $0x3FC  }
0x20: {  	[smem:s17] =	sst s3;
	s17 =	smov.u32 s0;
	s0 =	sadd.s32 $0x4, s0  }
.Ltmp1:
0x21: {  	(pc) =	sbr.rel @p1 .LBB2_4-.Ltmp1, $2  }
0x22: {  	_ =	sdelay $0x2  }
0x23: {  	s17 =	sshra.s32 s17, $0x2  }
0x24: {  	[smem:s17] =	sst s3;
	s0 =	simm.s32 $0x8D00  }
0x25: {  	[spmem:s4] =	stream.linear.scatter [tilespmem:s0], [sflag:$0x2], $0x800, $0x38;
	[tilespmem:$0xB680] =	vst v63  }
0x26: {  	_ =	swait.ge [sflag:s18], $0x800  }
0x27: {  	[sflag:s18] =	ssyncset.done $0x0  }
0x28: {  	s17 =	simm.s32 @p0 $0x8080;
	s0 =	simm.s32 @p0 $0x0;
	[sflag:s18] =	ssyncadd.s32 $0xFFFFF800  }
0x29: {  	[tilespmem:s17], [sflag:$0x2] =	stream.linear.gather @p0 [hbm4b:s7+s0], $0xC30, $0x38;
	[tilespmem:$0xB680] =	vst v63  }
0x2a: {  	s0 =	simm.s32 @p0 $0x2  }
0x2b: {  	_ =	swait.ge @p0 [sflag:s0], $0xC30  }
0x2c: {  	[sflag:s0] =	ssyncset.done @p0 $0x0  }
0x2d: {  	[sflag:s0] =	ssyncadd.s32 @p0 $0xFFFFF3D0  }
0x2e: {  	[spmem:s8] =	stream.linear.scatter @p0 [tilespmem:s17], [sflag:$0x2], $0xC30, $0x38;
	[tilespmem:$0xB680] =	vst v63  }
0x2f: {  	_ =	swait.ge @p0 [sflag:s0], $0xC30  }
0x30: {  	[sflag:s0] =	ssyncset.done @p0 $0x0  }
0x31: {  	s17 =	simm.s32 @!p0 $0x8080;
	[sflag:s0] =	ssyncadd.s32 @p0 $0xFFFFF3D0;
	s0 =	simm.s32 @!p0 $0x0  }
0x32: {  	[tilespmem:s17], [sflag:$0x2] =	stream.linear.gather @!p0 [hbm4b:s5+s0], $0xC38, $0x38;
	[tilespmem:$0xB680] =	vst v63  }
0x33: {  	s0 =	simm.s32 @!p0 $0x2  }
0x34: {  	_ =	swait.ge @!p0 [sflag:s0], $0xC38  }
0x35: {  	[sflag:s0] =	ssyncset.done @!p0 $0x0  }
.Ltmp2:
0x36: {  	[sflag:s0] =	ssyncadd.s32 @!p0 $0xFFFFF3C8;
	(pc) =	sbr.rel .LBB2_6-.Ltmp2, $4  }
0x37: {  	[spmem:s6] =	stream.linear.scatter @!p0 [tilespmem:s17], [sflag:$0x2], $0xC38, $0x38;
	[tilespmem:$0xB680] =	vst v63  }
0x38: {  	_ =	swait.ge @!p0 [sflag:s0], $0xC38  }
0x39: {  	s28 =	simm.s32 @!p0 $0x38;
	s29 =	simm.s32 $0x0;
	[sflag:s0] =	ssyncset.done @!p0 $0x0  }
0x3a: {  	s30 =	simm.s32 $0x0;
	s28 =	simm.s32 @p0 $0x30;
	[sflag:s0] =	ssyncadd.s32 @!p0 $0xFFFFF3C8  }
.LBB2_7:
0x3b: {  	s17 =	sld [smem:s0+$0x0];
	_ =	sdelay $0x2  }
0x3c: {  	s17 =	sadd.s32 $0x80, s17  }
0x3d: {  	[smem:s0] =	sst s17  }
.LBB2_11:
0x3e: {  	s30 =	sadd.s32 $0x1, s30  }
0x3f: {  	p1 =	sne.s32 s30, $0x18  }
.Ltmp3:
0x40: {  	_ = 	snop;
	(pc) =	sbr.rel @!p1 .LBB2_12-.Ltmp3, $1  }
0x41: {  	_ =	sdelay $0x3  }
.LBB2_6:
0x42: {  	s0 =	sshll.u32 s30, $0x7  }
0x43: {  	s0 =	sand.u32 $0x3FFFFF80, s0  }
0x44: {  	s0 =	sadd.s32 s0, s9  }
0x45: {  	[smem:s19], [sflag:$0x2] =	stream.linear.gather [spmem:s0], $0x80, $0x38;
	[tilespmem:$0xB680] =	vst v63  }
0x46: {  	_ =	swait.ge [sflag:s18], $0x80  }
0x47: {  	[sflag:s18] =	ssyncset.done $0x0  }
0x48: {  	[sflag:s18] =	ssyncadd.s32 $0xFFFFFF80  }
0x49: {  	s0 =	sld [smem:$0x180]  }
0x4a: {  	s17 =	sld [smem:$0x1FF];
	_ =	sdelay $0x2  }
0x4b: {  	p2 =	sne.s32 s0, s17  }
.Ltmp4:
0x4c: {  	_ = 	snop;
	(pc) =	sbr.rel @!p2 .LBB2_7-.Ltmp4, $4  }
0x4d: {  	_ = 	snop  }
0x4e: {  	s31 =	simm.s32 $0x1;
	p1 =	seq.s32 s0, s17  }
0x4f: {  	s31 =	simm.s32 @!p1 $0x0  }
0x50: {  	[smem:s30+$0x100] =	sst s31  }
0x51: {  	s17 =	sshra.s32 s29, $0x2;
	s0 =	sadd.s32 $0x4, s29  }
.LBB2_9:
0x52: {  	p1 =	sne.s32 s0, $0x1FC;
	s31 =	sld [smem:s17+$0x180];
	_ =	sdelay $0x2  }
.Ltmp5:
0x53: {  	s17 =	sld [smem:s31+$0x0];
	(pc) =	sbr.rel @p1 .LBB2_9-.Ltmp5, $3  }
0x54: {  	_ =	sdelay $0x1  }
0x55: {  	s24 =	sadd.s32 $0x1, s17  }
0x56: {  	s17 =	sshra.s32 s0, $0x2;
	s0 =	sadd.s32 $0x4, s0;
	[smem:s31] =	sst s24  }
0x57: {  	s0 =	sld [smem:s17+$0x180];
	_ =	sdelay $0x2  }
.Ltmp6:
0x58: {  	s17 =	sld [smem:s0+$0x0];
	(pc) =	sbr.rel .LBB2_11-.Ltmp6, $3  }
0x59: {  	_ =	sdelay $0x1  }
0x5a: {  	s17 =	sadd.s32 $0x1, s17  }
0x5b: {  	[smem:s0] =	sst s17  }
.LBB2_12:
0x5c: {  	s0 =	simm.s32 $0x180  }
0x5d: {  	[smem:s0], [sflag:$0x2] =	stream.linear.gather [spmem:s10], $0x80, $0x38;
	[tilespmem:$0xB680] =	vst v63  }
0x5e: {  	_ =	swait.ge [sflag:s18], $0x80  }
0x5f: {  	[sflag:s18] =	ssyncset.done $0x0  }
0x60: {  	[sflag:s18] =	ssyncadd.s32 $0xFFFFFF80  }
0x61: {  	s17 =	sld [smem:$0x180]  }
0x62: {  	s24 =	sld [smem:s28+$0x17F];
	_ =	sdelay $0x2  }
0x63: {  	p1 =	sne.s32 s17, s24  }
.Ltmp7:
0x64: {  	_ = 	snop;
	(pc) =	sbr.rel @p1 .LBB2_14-.Ltmp7, $1  }
0x65: {  	_ =	sdelay $0x3  }
.Ltmp8:
0x66: {  	s0 =	sld [smem:s17+$0x0];
	(pc) =	sbr.rel .LBB2_17-.Ltmp8, $3  }
0x67: {  	_ =	sdelay $0x1  }
0x68: {  	s0 =	sadd.s32 s28, s0  }
0x69: {  	[smem:s17] =	sst s0  }
.LBB2_14:
0x6a: {  	p1 =	sne.s32 s28, $0x1  }
.Ltmp9:
0x6b: {  	_ = 	snop;
	(pc) =	sbr.rel @!p1 .LBB2_16-.Ltmp9, $2  }
0x6c: {  	_ =	sdelay $0x2  }
0x6d: {  	s17 =	sld [smem:s0+$0x0];
	s28 =	sadd.s32 $0xFFFFFFFF, s28  }
.LBB2_15:
0x6e: {  	p1 =	sne.s32 s28, $0x1;
	_ =	sdelay $0x1  }
0x6f: {  	s24 =	sld [smem:s17+$0x0]  }
.Ltmp10:
0x70: {  	(pc) =	sbr.rel @p1 .LBB2_15-.Ltmp10, $4  }
0x71: {  	_ = 	snop  }
0x72: {  	s24 =	sadd.s32 $0x1, s24  }
0x73: {  	s0 =	sadd.s32 $0x1, s0;
	[smem:s17] =	sst s24  }
0x74: {  	s28 =	sadd.s32 $0xFFFFFFFF, s28;
	s17 =	sld [smem:s0+$0x0]  }
.LBB2_16:
0x75: {  	_ =	sdelay $0x1  }
0x76: {  	s0 =	sld [smem:s17+$0x0];
	_ =	sdelay $0x2  }
0x77: {  	s0 =	sadd.s32 $0x1, s0  }
0x78: {  	[smem:s17] =	sst s0  }
.LBB2_17:
.Ltmp11:
0x79: {  	(pc) =	sbr.rel .LBB2_18-.Ltmp11, $3  }
0x7a: {  	_ =	sdelay $0x1  }
0x7b: {  	[bflag:$0x0] =	sbarrier.arrive $0xFFFF;
	s28 =	simm.s32 $0x0;
	p1 =	por $0x0, $0x0  }
0x7c: {  	[tilespmem:s28], [sflag:$0x1] =	stream.linear.gather [hbm4b:s11+s28], $0x4000, $0x38;
	[tilespmem:$0xB680] =	vst v63  }
.LBB2_22:
0x7d: {  	s17 =	sshll.u32 s28, $0x7  }
0x7e: {  	s17 =	sand.u32 $0x3FFFFF80, s17  }
0x7f: {  	s17 =	sadd.s32 $0x8080, s17  }
0x80: {  	[spmem:s1] =	stream.indirect.scatter.add.f32 [tilespmem:s0], [sflag:$0x2], $0x80, s17, s23, $0xb8;
	[tilespmem:$0xB680] =	vst v63  }
0x81: {  	_ =	swait.ge [sflag:s18], $0x4000  }
0x82: {  	[sflag:s18] =	ssyncset.done $0x0  }
0x83: {  	[sflag:s18] =	ssyncadd.s32 $0xFFFFC000  }
.LBB2_23:
0x84: {  	s28 =	sadd.s32 $0x1, s28  }
0x85: {  	p2 =	sne.s32 s28, $0x18  }
.Ltmp12:
0x86: {  	_ = 	snop;
	(pc) =	sbr.rel @!p2 .LBB2_24-.Ltmp12, $2  }
0x87: {  	_ =	sdelay $0x2  }
0x88: {  	p1 =	por !p1, !p1  }
.LBB2_18:
0x89: {  	_ =	swait.ge [sflag:s20], $0x4000  }
0x8a: {  	[sflag:s20] =	ssyncset.done $0x0  }
0x8b: {  	s0 =	sshll.u32 s28, $0xE;
	p2 =	seq.s32 s28, $0x17;
	[sflag:s20] =	ssyncadd.s32 $0xFFFFC000  }
0x8c: {  	s0 =	sand.u32 $0x4000, s0;
	s17 =	sshll.u32 @!p2 s28, $0xB;
	s24 =	sld [smem:s28+$0x100]  }
0x8d: {  	s30 =	simm.s32 @!p2 $0x0;
	s29 =	ssub.s32 @!p2 $0x4000, s0;
	s17 =	sadd.s32 @!p2 s16, s17  }
0x8e: {  	[tilespmem:s29], [sflag:$0x1] =	stream.linear.gather @!p2 [hbm4b:s17+s30], $0x4000, $0x38;
	[tilespmem:$0xB680] =	vst v63  }
0x8f: {  	p2 =	sne.s32 s24, $0x1  }
.Ltmp13:
0x90: {  	_ = 	snop;
	(pc) =	sbr.rel @p2 .LBB2_22-.Ltmp13, $1  }
0x91: {  	_ =	sdelay $0x3  }
0x92: {  	s0 =	simm.s32 $0x1  }
0x93: {  	s0 =	simm.s32 @!p1 $0x0  }
0x94: {  	s0 =	sshll.u32 s0, $0xE  }
0x95: {  	s0 =	sor.u32 $0x40, s0  }
0x96: {  	v2 =	vmov s0;
	_ =	sdelay $0x3  }
0x97: {  	s24 =	simm.s32 $0x0  }
0x98: {  	v1 =	vld.idx.msk [tilespmem:v2+s24+$0x30 ss:$0x1], $0xffff  }
0x99: {  	v5 =	vld.idx.msk [tilespmem:v2+s24+$0xFFFFFFC0 ss:$0x1], $0xffff  }
0x9a: {  	v13 =	vld.idx.msk [tilespmem:v2+s24+$0xFFFFFFD0 ss:$0x1], $0xffff  }
0x9b: {  	v9 =	vld.idx.msk [tilespmem:v2+s24+$0xFFFFFFE0 ss:$0x1], $0xffff  }
0x9c: {  	v7 =	vld.idx.msk [tilespmem:v2+s24+$0xFFFFFFF0 ss:$0x1], $0xffff  }
0x9d: {  	v6 =	vimm.f32 $0.0e+00;
	v15 =	vimm.f32 $0.0e+00;
	v4 =	vld.idx.msk [tilespmem:v2+s24+$0x0 ss:$0x1], $0xffff  }
0x9e: {  	v10 =	vimm.f32 $0.0e+00;
	v14 =	vimm.f32 $0.0e+00;
	v8 =	vimm.f32 $0.0e+00;
	v3 =	vld.idx.msk [tilespmem:v2+s24+$0x10 ss:$0x1], $0xffff  }
0x9f: {  	s17 =	simm.s32 $0x400;
	s0 =	simm.s32 $0x80;
	v11 =	vld.idx.msk [tilespmem:v2+s24+$0x20 ss:$0x1], $0xffff;
	v1 =	vadd.f32 v1, v6;
	v12 =	vadd.f32 v5, v6;
	v5 =	vimm.f32 $0.0e+00  }
.LBB2_20:
0xa0: {  	p2 =	sne.s32 s17, $0xFE00;
	v16 =	vld.idx.msk [tilespmem:v2+s0+$0x30 ss:$0x1], $0xffff;
	v6 =	vadd.f32 v13, v6  }
0xa1: {  	v15 =	vadd.f32 v9, v15;
	v17 =	vld.idx.msk [tilespmem:v2+s0+$0xFFFFFFC0 ss:$0x1], $0xffff  }
0xa2: {  	v10 =	vadd.f32 v7, v10;
	v13 =	vld.idx.msk [tilespmem:v2+s0+$0xFFFFFFD0 ss:$0x1], $0xffff  }
.Ltmp14:
0xa3: {  	v14 =	vadd.f32 v4, v14;
	v9 =	vld.idx.msk [tilespmem:v2+s0+$0xFFFFFFE0 ss:$0x1], $0xffff;
	(pc) =	sbr.rel @p2 .LBB2_20-.Ltmp14, $4  }
0xa4: {  	v8 =	vadd.f32 v3, v8;
	v7 =	vld.idx.msk [tilespmem:v2+s0+$0xFFFFFFF0 ss:$0x1], $0xffff  }
0xa5: {  	v5 =	vadd.f32 v11, v5;
	v4 =	vld.idx.msk [tilespmem:v2+s0+$0x0 ss:$0x1], $0xffff  }
0xa6: {  	v1 =	vadd.f32 v16, v1;
	v3 =	vld.idx.msk [tilespmem:v2+s0+$0x10 ss:$0x1], $0xffff  }
0xa7: {  	v12 =	vadd.f32 v17, v12;
	v11 =	vld.idx.msk [tilespmem:v2+s0+$0x20 ss:$0x1], $0xffff;
	s0 =	sshra.s32 s17, $0x2;
	s17 =	sadd.s32 $0x200, s17  }
0xa8: {  	_ =	sdelay $0x3  }
0xa9: {  	v17 =	vld.idx.msk [tilespmem:v2+s0+$0xFFFFFFC0 ss:$0x1], $0xffff  }
0xaa: {  	v18 =	vld.idx.msk [tilespmem:v2+s0+$0xFFFFFFD0 ss:$0x1], $0xffff  }
0xab: {  	v19 =	vld.idx.msk [tilespmem:v2+s0+$0xFFFFFFE0 ss:$0x1], $0xffff  }
0xac: {  	v20 =	vld.idx.msk [tilespmem:v2+s0+$0xFFFFFFF0 ss:$0x1], $0xffff  }
0xad: {  	v6 =	vadd.f32 v13, v6;
	v62 =	vld.idx.msk [tilespmem:v2+s0+$0x0 ss:$0x1], $0xffff  }
0xae: {  	v9 =	vadd.f32 v9, v15;
	v63 =	vld.idx.msk [tilespmem:v2+s0+$0x10 ss:$0x1], $0xffff;
	v12 =	vadd.f32 v17, v12  }
0xaf: {  	v16 =	vld.idx.msk [tilespmem:v2+s0+$0x30 ss:$0x1], $0xffff;
	v7 =	vadd.f32 v7, v10;
	v6 =	vadd.f32 v18, v6  }
0xb0: {  	v2 =	vld.idx.msk [tilespmem:v2+s0+$0x20 ss:$0x1], $0xffff;
	v4 =	vadd.f32 v4, v14;
	v9 =	vadd.f32 v19, v9;
	[tilespmem:$0x8000] =	vst v12  }
0xb1: {  	v3 =	vadd.f32 v3, v8;
	v7 =	vadd.f32 v20, v7;
	[tilespmem:$0x8010] =	vst v6  }
0xb2: {  	v4 =	vadd.f32 v62, v4;
	[tilespmem:$0x8020] =	vst v9  }
0xb3: {  	v5 =	vadd.f32 v11, v5;
	v3 =	vadd.f32 v63, v3;
	[tilespmem:$0x8030] =	vst v7  }
0xb4: {  	v1 =	vadd.f32 v16, v1;
	[tilespmem:$0x8040] =	vst v4  }
0xb5: {  	s31 =	sshll.u32 s28, $0x7;
	v2 =	vadd.f32 v2, v5;
	[tilespmem:$0x8050] =	vst v3  }
0xb6: {  	s0 =	sand.u32 $0x3FFFFF80, s31;
	[tilespmem:$0x8070] =	vst v1  }
.Ltmp15:
0xb7: {  	s0 =	sadd.s32 $0x8080, s0;
	[tilespmem:$0x8060] =	vst v2;
	(pc) =	sbr.rel .LBB2_23-.Ltmp15, $4  }
0xb8: {  	[spmem:s1] =	stream.indirect.scatter.add.f32 [tilespmem:s21], [sflag:$0x3], $0x80, s0, s20, $0xb8;
	[tilespmem:$0xB680] =	vst v63  }
0xb9: {  	_ =	swait.ge [sflag:s22], $0x80  }
0xba: {  	[sflag:s22] =	ssyncset.done $0x0  }
0xbb: {  	[sflag:s22] =	ssyncadd.s32 $0xFFFFFF80  }
.LBB2_24:
0xbc: {  	s0 =	simm.s32 @p0 $0x0;
	s17 =	simm.s32 @p0 $0x2  }
0xbd: {  	[tilespmem:s0], [sflag:$0x2] =	stream.linear.gather @p0 [hbm4b:s12+s0], $0x1800, $0x38;
	[tilespmem:$0xB680] =	vst v63  }
0xbe: {  	_ =	swait.ge @p0 [sflag:s17], $0x1800  }
0xbf: {  	[sflag:s17] =	ssyncset.done @p0 $0x0  }
0xc0: {  	s24 =	simm.s32 @p0 $0x30;
	s28 =	simm.s32 @p0 $0x8C80;
	[sflag:s17] =	ssyncadd.s32 @p0 $0xFFFFE800  }
0xc1: {  	[spmem:s1] =	stream.indirect.scatter.add.f32 @p0 [tilespmem:s0], [sflag:$0x2], $0x80, s28, s24, $0xb8;
	[tilespmem:$0xB680] =	vst v63  }
0xc2: {  	_ =	swait.ge @p0 [sflag:s17], $0x1800  }
0xc3: {  	[sflag:s17] =	ssyncset.done @p0 $0x0  }
0xc4: {  	s0 =	simm.s32 @!p0 $0x0;
	[sflag:s17] =	ssyncadd.s32 @p0 $0xFFFFE800;
	s17 =	simm.s32 @!p0 $0x2  }
0xc5: {  	[tilespmem:s0], [sflag:$0x2] =	stream.linear.gather @!p0 [hbm4b:s12+s0], $0x1C00, $0x38;
	[tilespmem:$0xB680] =	vst v63  }
0xc6: {  	_ =	swait.ge @!p0 [sflag:s17], $0x1C00  }
0xc7: {  	[sflag:s17] =	ssyncset.done @!p0 $0x0  }
0xc8: {  	s24 =	simm.s32 @!p0 $0x38;
	s28 =	simm.s32 @!p0 $0x8C80;
	[sflag:s17] =	ssyncadd.s32 @!p0 $0xFFFFE400  }
0xc9: {  	[spmem:s1] =	stream.indirect.scatter.add.f32 @!p0 [tilespmem:s0], [sflag:$0x2], $0x80, s28, s24, $0xb8;
	[tilespmem:$0xB680] =	vst v63  }
0xca: {  	_ =	swait.ge @!p0 [sflag:s17], $0x1C00  }
0xcb: {  	[sflag:s17] =	ssyncset.done @!p0 $0x0  }
0xcc: {  	[sflag:s17] =	ssyncadd.s32 @!p0 $0xFFFFE400  }
0xcd: {  	s25 =	sld [smem:$0xF]  }
0xce: {  	s17 =	sld [smem:$0x0]  }
0xcf: {  	s24 =	sld [smem:$0x1]  }
0xd0: {  	s28 =	sld [smem:$0x2];
	v1 =	vmov s25  }
0xd1: {  	s25 =	sld [smem:$0x3];
	v1 =	vsel vm0, s17, v1  }
0xd2: {  	s17 =	sld [smem:$0x4];
	v1 =	vsel vm1, s24, v1  }
0xd3: {  	s24 =	sld [smem:$0x5];
	v1 =	vsel vm2, s28, v1  }
0xd4: {  	s28 =	sld [smem:$0x6];
	v1 =	vsel vm3, s25, v1  }
0xd5: {  	s25 =	sld [smem:$0x7];
	v1 =	vsel vm4, s17, v1  }
0xd6: {  	s17 =	sld [smem:$0x8];
	v1 =	vsel vm5, s24, v1  }
0xd7: {  	s24 =	sld [smem:$0x9];
	v1 =	vsel vm6, s28, v1  }
0xd8: {  	s29 =	sld [smem:$0xA];
	v1 =	vsel vm7, s25, v1  }
0xd9: {  	s25 =	sld [smem:$0xB];
	v1 =	vsel vm8, s17, v1  }
0xda: {  	s31 =	sld [smem:$0xC];
	v1 =	vsel vm9, s24, v1  }
0xdb: {  	s30 =	simm.s32 $0x80;
	s0 =	sld [smem:$0xD];
	v1 =	vsel vm10, s29, v1  }
0xdc: {  	s28 =	simm.s32 $0x0;
	s29 =	simm.s32 $0x10;
	s17 =	sld [smem:$0xE];
	v1 =	vsel vm11, s25, v1  }
.LBB2_25:
0xdd: {  	p1 =	sne.s32 s30, $0x3C0;
	s24 =	sld [smem:s29+$0xF];
	v1 =	vsel vm12, s31, v1  }
0xde: {  	s25 =	sld [smem:s29+$0x0];
	v1 =	vsel vm13, s0, v1  }
0xdf: {  	s0 =	sld [smem:s29+$0x1];
	v1 =	vsel vm14, s17, v1  }
0xe0: {  	s17 =	sld [smem:s29+$0x2];
	v2 =	vmov s24;
	[tilespmem:s28+$0x9500] =	vst v1;
	s28 =	smov.u32 s29  }
0xe1: {  	s24 =	sld [smem:s28+$0x3];
	v1 =	vsel vm0, s25, v2  }
0xe2: {  	s25 =	sld [smem:s28+$0x4];
	v1 =	vsel vm1, s0, v1  }
0xe3: {  	s0 =	sld [smem:s28+$0x5];
	v1 =	vsel vm2, s17, v1  }
0xe4: {  	s17 =	sld [smem:s28+$0x6];
	v1 =	vsel vm3, s24, v1  }
0xe5: {  	s24 =	sld [smem:s28+$0x7];
	v1 =	vsel vm4, s25, v1  }
0xe6: {  	s25 =	sld [smem:s28+$0x8];
	v1 =	vsel vm5, s0, v1  }
0xe7: {  	s0 =	sld [smem:s28+$0x9];
	v1 =	vsel vm6, s17, v1  }
.Ltmp16:
0xe8: {  	s17 =	sld [smem:s28+$0xA];
	v1 =	vsel vm7, s24, v1;
	(pc) =	sbr.rel @p1 .LBB2_25-.Ltmp16, $4  }
0xe9: {  	s24 =	sld [smem:s28+$0xB];
	v1 =	vsel vm8, s25, v1  }
0xea: {  	s31 =	sld [smem:s28+$0xC];
	v1 =	vsel vm9, s0, v1  }
0xeb: {  	s0 =	sld [smem:s28+$0xD];
	v1 =	vsel vm10, s17, v1  }
0xec: {  	s29 =	sshra.s32 s30, $0x2;
	s30 =	sadd.s32 $0x40, s30;
	s17 =	sld [smem:s28+$0xE];
	v1 =	vsel vm11, s24, v1  }
0xed: {  	s24 =	sld [smem:s29+$0xF]  }
0xee: {  	s25 =	sld [smem:s29+$0x0]  }
0xef: {  	s30 =	sld [smem:s29+$0x1]  }
0xf0: {  	v2 =	vmov s24;
	s24 =	sld [smem:s29+$0x2]  }
0xf1: {  	v2 =	vsel vm0, s25, v2;
	s25 =	sld [smem:s29+$0x3]  }
0xf2: {  	v2 =	vsel vm1, s30, v2;
	s30 =	sld [smem:s29+$0x4]  }
0xf3: {  	v2 =	vsel vm2, s24, v2;
	s24 =	sld [smem:s29+$0x5]  }
0xf4: {  	v2 =	vsel vm3, s25, v2;
	s25 =	sld [smem:s29+$0x6]  }
0xf5: {  	v2 =	vsel vm4, s30, v2;
	s30 =	sld [smem:s29+$0x7]  }
0xf6: {  	v2 =	vsel vm5, s24, v2;
	s24 =	sld [smem:s29+$0x8]  }
0xf7: {  	v2 =	vsel vm6, s25, v2;
	s25 =	sld [smem:s29+$0x9]  }
0xf8: {  	v2 =	vsel vm7, s30, v2;
	s30 =	sld [smem:s29+$0xA]  }
0xf9: {  	v2 =	vsel vm8, s24, v2;
	s24 =	sld [smem:s29+$0xB]  }
0xfa: {  	v2 =	vsel vm9, s25, v2;
	s25 =	sld [smem:s29+$0xC]  }
0xfb: {  	v2 =	vsel vm10, s30, v2;
	s30 =	sld [smem:s29+$0xD]  }
0xfc: {  	v1 =	vsel vm12, s31, v1;
	s31 =	sld [smem:s29+$0xE];
	v2 =	vsel vm11, s24, v2  }
0xfd: {  	v1 =	vsel vm13, s0, v1;
	v2 =	vsel vm12, s25, v2  }
0xfe: {  	v1 =	vsel vm14, s17, v1;
	v2 =	vsel vm13, s30, v2  }
0xff: {  	[tilespmem:s28+$0x9500] =	vst v1;
	v1 =	vsel vm14, s31, v2  }
0x100: {  	s28 =	simm.s32 $0x400;
	[tilespmem:s29+$0x9500] =	vst v1;
	s29 =	simm.s32 $0x9500  }
0x101: {  	[hbm4b:s13+s23] =	stream.strided.scatter [tilespmem:s29], [sflag:$0x2], $0x100, s28, s23, $0x38;
	[tilespmem:$0xB680] =	vst v63  }
0x102: {  	_ =	swait.ge [sflag:s18], $0x100  }
0x103: {  	s26 =	sadd.s32 $0x1, s26;
	s30 =	sshll.u32 s2, $0x6;
	[sflag:s18] =	ssyncset.done $0x0  }
0x104: {  	p1 =	sne.s32 s26, s15;
	s0 =	sor.u32 $0x1C02, s30;
	[sflag:s18] =	ssyncadd.s32 $0xFFFFFF00  }
.Ltmp17:
0x105: {  	s31 =	sshrl.u32 s4, $0x3;
	[bflag:$0x0] =	sbarrier.arrive $0xFFFF;
	(pc) =	sbr.rel @p1 .LBB2_1-.Ltmp17, $4  }
0x106: {  	[hbm:s14], [sflag:s0] =	dma.local [spmem:s31], $0x100  }
0x107: {  	_ =	swait.ge [sflag:s18], $0x100  }
0x108: {  	[sflag:s18] =	ssyncset.done $0x0  }
0x109: {  	[sflag:s18] =	ssyncadd.s32 $0xFFFFFF00  }
0x10a: {  	_ =	sfence.sel $0x180000  }
0x10b: {  	[bflag:$0x0] =	sbarrier.arrive $0xFFFF  }
0x10c: {  	_ =	strace $0x90000047  }
0x10d: {  	[bflag:$0x2] =	sbarrier.arrive $0xFFFF  }
0x10e: {  	p0 =	sne.s32 s2, $0x0;
	s0 =	rddreg [dreg:$0x5]  }
0x10f: {  	s0 =	sadd.s32 @!p0 $0x100000, s0  }
0x110: {  	[sflag:s0] =	ssyncadd.tile.s32 @!p0 $0x1;
	_ =	shalt  }
.Lfunc_end2:
_tile_overlayer_lowered:
.L_overlay_start_2:
0x111: {  	(tag) =	ssettag $0x2  }
0x112: {  	s0 =	rddreg [dreg:$0x0];
	s2 =	stileid.u32  }
0x113: {  	s1 =	rddreg [dreg:$0x1];
	p0 =	sne.s32 s2, $0x0  }
0x114: {  	s3 =	rddreg [dreg:$0x2];
	[bflag:$0x3] =	sbarrier.arrive $0xFFFF;
	s2 =	simm.s32 @!p0 $0x1C02  }
0x115: {  	[timem:s3], [sflag:s2] =	dma.local @!p0 [hbm:s0], s1  }
0x116: {  	s0 =	simm.s32 @!p0 $0x2  }
0x117: {  	_ =	swait.ge @!p0 [sflag:s0], s1  }
0x118: {  	s1 =	ssub.s32 @!p0 $0x0, s1;
	[sflag:s0] =	ssyncset.done @!p0 $0x0  }
0x119: {  	[sflag:s0] =	ssyncadd.s32 @!p0 s1  }
0x11a: {  	[bflag:$0x3] =	sbarrier.arrive $0xFFFF  }
0x11b: {  	_ =	shalt  }

</sc_bundles>
